<compile_context>
chip_gen: v7x
topology: tpu7x:2x2x1
jax: 0.10.2.dev20260603
libtpu: 0.0.44.dev20260713+nightly
codegen_flags: <defaults>
</compile_context>

<pallas_src>
import functools

import jax
import jax.numpy as jnp
from jax import lax
from jax.experimental import pallas as pl
from jax.experimental.pallas import tpu as pltpu
from jax.experimental.pallas import tpu_sc as plsc

B = 8
LQ = 32
LK = 2048
D = 64
MAX_REL = 128
NROW = 2 * MAX_REL + 1
NPAIR = B * LQ
NW = 32
PAIRS_PER_W = NPAIR // NW
Q = 256
S = (PAIRS_PER_W * LK) // Q
STEPS_PER_PAIR = LK // Q
NSLOT = 2

_mesh = plsc.VectorSubcoreMesh(core_axis_name="c", subcore_axis_name="s")


@functools.partial(
    pl.kernel,
    mesh=_mesh,
    compiler_params=pltpu.CompilerParams(needs_layout_passes=False),
    out_type=jax.ShapeDtypeStruct((B, LQ, LK, D), jnp.float32),
    scratch_types=[
        pltpu.VMEM((NROW, D), jnp.float32),
        pltpu.VMEM((LK,), jnp.int32),
        pltpu.VMEM((NPAIR + 16,), jnp.int32),
        pltpu.VMEM((NSLOT * Q, D), jnp.float32),
        pltpu.SemaphoreType.DMA,
        pltpu.SemaphoreType.DMA,
    ],
)
def _sc_gather(pq_hbm, pk_hbm, table_hbm, out_hbm, tab_v, pk_v, pq_v,
               rows_v, ssem0, ssem1):
    wid = lax.axis_index("s") * 2 + lax.axis_index("c")
    bq = wid // (LQ // PAIRS_PER_W)
    h1 = pltpu.async_copy(table_hbm, tab_v, ssem0)
    h2 = pltpu.async_copy(pk_hbm.at[bq], pk_v, ssem0)
    h3 = pltpu.async_copy(pq_hbm, pq_v.at[pl.ds(0, NPAIR)], ssem0)
    h1.wait()
    h2.wait()
    h3.wait()
    lane = lax.iota(jnp.int32, 16)
    cvecs = [lane + c4 * 16 for c4 in range(D // 16)]
    _dnums = lax.GatherDimensionNumbers(
        offset_dims=(), collapsed_slice_dims=(0,), start_index_map=(0,)
    )

    def _splat_lane(vec, r):
        return lax.gather(
            vec, jnp.broadcast_to(r, (16, 1)).astype(jnp.int32), _dnums, (1,),
            mode=lax.GatherScatterMode.PROMISE_IN_BOUNDS,
        )

    def build_step(t, k):
        pq_scalar = pq_v[pl.ds(wid * PAIRS_PER_W + t // STEPS_PER_PAIR, 16)][0]
        pq_splat = jnp.full((16,), pq_scalar, jnp.int32)
        jbase = (t % STEPS_PER_PAIR) * Q

        def grp_body(g, carry):
            pk16 = pk_v[pl.ds(jbase + g * 16, 16)]
            rows16 = jnp.clip(pk16 - pq_splat, -MAX_REL, MAX_REL) + MAX_REL
            dst_g = k * Q + g * 16

            @plsc.parallel_loop(0, 16, 1, unroll=16)
            def _rows(r):
                rowsplat = _splat_lane(rows16, r)
                for c4 in range(D // 16):
                    vals = plsc.load_gather(tab_v, [rowsplat, cvecs[c4]])
                    rows_v[dst_g + r, pl.ds(c4 * 16, 16)] = vals

            return carry

        lax.fori_loop(0, Q // 16, grp_body, 0)

    def fire_scatter(t, k, sem):
        iq = (wid % (LQ // PAIRS_PER_W)) * PAIRS_PER_W + t // STEPS_PER_PAIR
        jb = (t % STEPS_PER_PAIR) * Q
        pltpu.async_copy(
            rows_v.at[pl.ds(k * Q, Q)],
            out_hbm.at[bq, iq, pl.ds(jb, Q), :],
            sem,
        )

    def wait_scatter(k, sem):
        pltpu.make_async_copy(
            rows_v.at[pl.ds(k * Q, Q)],
            out_hbm.at[0, 0, pl.ds(0, Q), :],
            sem,
        ).wait()

    build_step(0, 0)
    fire_scatter(0, 0, ssem0)
    build_step(1, 1)
    fire_scatter(1, 1, ssem1)

    def outer(o, carry):
        s0 = o * 2
        wait_scatter(0, ssem0)
        build_step(s0, 0)
        fire_scatter(s0, 0, ssem0)
        wait_scatter(1, ssem1)
        build_step(s0 + 1, 1)
        fire_scatter(s0 + 1, 1, ssem1)
        return carry

    lax.fori_loop(1, S // 2, outer, 0)
    wait_scatter(0, ssem0)
    wait_scatter(1, ssem1)


def kernel(position_q, position_k, embeddings_table):
    pq = position_q.astype(jnp.int32).reshape(NPAIR)
    pk = position_k.astype(jnp.int32)
    return _sc_gather(pq, pk, embeddings_table)

# --- scband reference (transcript-rebuilt; emitter-appended) ---
"""Pipeline reference for scband-full-sequencial-relative-position-3186865733697 (READ-ONLY COPY).

The authoritative reference and input builder live on the scoring server;
editing this copy changes nothing except your own understanding.
"""

import jax, jax.numpy as jnp
import numpy as np

MAX_REL_POS = 128
NUM_UNITS = 64

def setup_inputs(seed: int = 0) -> dict:
    key = jax.random.key(seed)
    k1, k2, k3 = jax.random.split(key, 3)
    position_q = jax.random.randint(k1, (8, 32), 0, 2048).astype(jnp.int64)
    position_k = jax.random.randint(k2, (8, 2048), 0, 2048).astype(jnp.int64)
    # xavier_uniform init for embeddings_table [2*max_rel_pos+1, num_units]
    fan_in, fan_out = 2 * MAX_REL_POS + 1, NUM_UNITS
    limit = float(np.sqrt(6.0 / (fan_in + fan_out)))
    embeddings_table = jax.random.uniform(k3, (2 * MAX_REL_POS + 1, NUM_UNITS), minval=-limit, maxval=limit, dtype=jnp.float32)
    return {"position_q": position_q, "position_k": position_k, "embeddings_table": embeddings_table}

def reference(position_q, position_k, embeddings_table):
    # distance_mat[b, i, j] = position_k[b, j] - position_q[b, i]
    distance_mat = position_k[:, None, :] - position_q[:, :, None]
    distance_mat_clipped = jnp.clip(distance_mat, -MAX_REL_POS, MAX_REL_POS)
    final_mat = (distance_mat_clipped + MAX_REL_POS).astype(jnp.int32)
    embeddings = jnp.take(embeddings_table, final_mat, axis=0)
    return embeddings

if __name__ == "__main__":
    import jax
    _d = setup_inputs()
    print(jax.jit(kernel)(*tuple(_d.values())))

</pallas_src>

<mosaic_0001>
#map = affine_map<(d0, d1) -> (0)>
#map1 = affine_map<(d0, d1) -> (0, 0)>
#map2 = affine_map<(d0, d1) -> (0, 0, 0, 0)>
module attributes {stable_mosaic.version = 14 : i64} {
  func.func @_sc_gather(%arg0: i32, %arg1: i32, %arg2: memref<256xi32, #tpu.memory_space<hbm>>, %arg3: memref<8x2048xi32, #tpu.memory_space<hbm>>, %arg4: memref<257x64xf32, #tpu.memory_space<hbm>>, %arg5: memref<8x32x2048x64xf32, #tpu.memory_space<hbm>>, %arg6: memref<257x64xf32, #tpu.memory_space<vmem>>, %arg7: memref<2048xi32, #tpu.memory_space<vmem>>, %arg8: memref<272xi32, #tpu.memory_space<vmem>>, %arg9: memref<512x64xf32, #tpu.memory_space<vmem>>, %arg10: memref<!tpu.dma_semaphore, #tpu.memory_space<semaphore_mem>>, %arg11: memref<!tpu.dma_semaphore, #tpu.memory_space<semaphore_mem>>) attributes {dimension_semantics = [#tpu.dimension_semantics<core_parallel>, #tpu.dimension_semantics<subcore_parallel>], iteration_bounds = array<i64: 2, 16>, scalar_prefetch = 0 : i64, scratch_operands = 6 : i64, tpu.core_type = #tpu.core_type<sc_vector_subcore>, window_params = [{transform_indices = #map}, {transform_indices = #map1}, {transform_indices = #map1}, {transform_indices = #map2}]} {
    %mul3A = arith.constant 2 : i32
    %mul3A_0 = arith.muli %arg1, %mul3A : i32
    %add3A = arith.addi %mul3A_0, %arg0 : i32
    %jit3A = arith.constant 4 : i32
    %div3A = arith.divsi %add3A, %jit3A : i32
    %sign3A = arith.constant 0 : i32
    %sign3A_1 = arith.cmpi sgt, %add3A, %sign3A : i32
    %sign3A_2 = arith.extui %sign3A_1 : i1 to i32
    %sign3A_3 = arith.constant 0 : i32
    %sign3A_4 = arith.cmpi slt, %add3A, %sign3A_3 : i32
    %sign3A_5 = arith.extui %sign3A_4 : i1 to i32
    %sign3A_6 = arith.subi %sign3A_2, %sign3A_5 : i32
    %sign3A_7 = arith.constant 0 : i32
    %sign3A_8 = arith.cmpi sgt, %jit3A, %sign3A_7 : i32
    %sign3A_9 = arith.extui %sign3A_8 : i1 to i32
    %sign3A_10 = arith.constant 0 : i32
    %sign3A_11 = arith.cmpi slt, %jit3A, %sign3A_10 : i32
    %sign3A_12 = arith.extui %sign3A_11 : i1 to i32
    %sign3A_13 = arith.subi %sign3A_9, %sign3A_12 : i32
    %ne3A = arith.cmpi ne, %sign3A_6, %sign3A_13 : i32
    %rem3A = arith.remsi %add3A, %jit3A : i32
    %ne3A_14 = arith.constant 0 : i32
    %ne3A_15 = arith.cmpi ne, %rem3A, %ne3A_14 : i32
    %and3A = arith.andi %ne3A, %ne3A_15 : i1
    %sub3A = arith.constant 1 : i32
    %sub3A_16 = arith.subi %div3A, %sub3A : i32
    %select_n3A = arith.select %and3A, %sub3A_16, %div3A : i32
    tpu.enqueue_dma source(%arg4 : memref<257x64xf32, #tpu.memory_space<hbm>>) target(%arg6 : memref<257x64xf32, #tpu.memory_space<vmem>>) target_semaphore(%arg10 : memref<!tpu.dma_semaphore, #tpu.memory_space<semaphore_mem>>)
    %dma_start3A = arith.constant 0 : i32
    %dma_start3A_17 = tpu.memref_slice %arg3[%select_n3A, %dma_start3A] : memref<8x2048xi32, #tpu.memory_space<hbm>> -> memref<1x2048xi32, #tpu.memory_space<hbm>>
    %dma_start3A_18 = tpu.memref_squeeze %dma_start3A_17 : memref<1x2048xi32, #tpu.memory_space<hbm>> -> memref<2048xi32, #tpu.memory_space<hbm>>
    %dma_start3A_19 = arith.constant 0 : i32
    %dma_start3A_20 = tpu.memref_slice %arg3[%select_n3A, %dma_start3A_19] : memref<8x2048xi32, #tpu.memory_space<hbm>> -> memref<1x2048xi32, #tpu.memory_space<hbm>>
    %dma_start3A_21 = tpu.memref_squeeze %dma_start3A_20 : memref<1x2048xi32, #tpu.memory_space<hbm>> -> memref<2048xi32, #tpu.memory_space<hbm>>
    tpu.enqueue_dma source(%dma_start3A_21 : memref<2048xi32, #tpu.memory_space<hbm>>) target(%arg7 : memref<2048xi32, #tpu.memory_space<vmem>>) target_semaphore(%arg10 : memref<!tpu.dma_semaphore, #tpu.memory_space<semaphore_mem>>)
    %dma_start3A_22 = arith.constant 0 : i32
    %dma_start3A_23 = tpu.memref_slice %arg8[%dma_start3A_22] : memref<272xi32, #tpu.memory_space<vmem>> -> memref<256xi32, #tpu.memory_space<vmem>>
    %dma_start3A_24 = arith.constant 0 : i32
    %dma_start3A_25 = tpu.memref_slice %arg8[%dma_start3A_24] : memref<272xi32, #tpu.memory_space<vmem>> -> memref<256xi32, #tpu.memory_space<vmem>>
    tpu.enqueue_dma source(%arg2 : memref<256xi32, #tpu.memory_space<hbm>>) target(%dma_start3A_25 : memref<256xi32, #tpu.memory_space<vmem>>) target_semaphore(%arg10 : memref<!tpu.dma_semaphore, #tpu.memory_space<semaphore_mem>>)
    tpu.wait_dma2 semaphore(%arg10 : memref<!tpu.dma_semaphore, #tpu.memory_space<semaphore_mem>>) src(%arg4 : memref<257x64xf32, #tpu.memory_space<hbm>>) dst(%arg6 : memref<257x64xf32, #tpu.memory_space<vmem>>)
    %dma_wait3A = arith.constant 0 : i32
    %dma_wait3A_26 = tpu.memref_slice %arg3[%select_n3A, %dma_wait3A] : memref<8x2048xi32, #tpu.memory_space<hbm>> -> memref<1x2048xi32, #tpu.memory_space<hbm>>
    %dma_wait3A_27 = tpu.memref_squeeze %dma_wait3A_26 : memref<1x2048xi32, #tpu.memory_space<hbm>> -> memref<2048xi32, #tpu.memory_space<hbm>>
    %dma_wait3A_28 = arith.constant 0 : i32
    %dma_wait3A_29 = tpu.memref_slice %arg3[%select_n3A, %dma_wait3A_28] : memref<8x2048xi32, #tpu.memory_space<hbm>> -> memref<1x2048xi32, #tpu.memory_space<hbm>>
    %dma_wait3A_30 = tpu.memref_squeeze %dma_wait3A_29 : memref<1x2048xi32, #tpu.memory_space<hbm>> -> memref<2048xi32, #tpu.memory_space<hbm>>
    tpu.wait_dma2 semaphore(%arg10 : memref<!tpu.dma_semaphore, #tpu.memory_space<semaphore_mem>>) src(%dma_wait3A_30 : memref<2048xi32, #tpu.memory_space<hbm>>) dst(%arg7 : memref<2048xi32, #tpu.memory_space<vmem>>)
    %dma_wait3A_31 = arith.constant 0 : i32
    %dma_wait3A_32 = tpu.memref_slice %arg8[%dma_wait3A_31] : memref<272xi32, #tpu.memory_space<vmem>> -> memref<256xi32, #tpu.memory_space<vmem>>
    %dma_wait3A_33 = arith.constant 0 : i32
    %dma_wait3A_34 = tpu.memref_slice %arg8[%dma_wait3A_33] : memref<272xi32, #tpu.memory_space<vmem>> -> memref<256xi32, #tpu.memory_space<vmem>>
    tpu.wait_dma2 semaphore(%arg10 : memref<!tpu.dma_semaphore, #tpu.memory_space<semaphore_mem>>) src(%arg2 : memref<256xi32, #tpu.memory_space<hbm>>) dst(%dma_wait3A_34 : memref<256xi32, #tpu.memory_space<vmem>>)
    %iota3A = tpu.iota {dimensions = array<i32: 0>} : vector<16xi32>
    %add3A_35 = arith.constant 0 : i32
    %add3A_36 = vector.broadcast %add3A_35 : i32 to vector<16xi32>
    %add3A_37 = arith.addi %iota3A, %add3A_36 : vector<16xi32>
    %add3A_38 = arith.constant 16 : i32
    %add3A_39 = vector.broadcast %add3A_38 : i32 to vector<16xi32>
    %add3A_40 = arith.addi %iota3A, %add3A_39 : vector<16xi32>
    %add3A_41 = arith.constant 32 : i32
    %add3A_42 = vector.broadcast %add3A_41 : i32 to vector<16xi32>
    %add3A_43 = arith.addi %iota3A, %add3A_42 : vector<16xi32>
    %add3A_44 = arith.constant 48 : i32
    %add3A_45 = vector.broadcast %add3A_44 : i32 to vector<16xi32>
    %add3A_46 = arith.addi %iota3A, %add3A_45 : vector<16xi32>
    %mul3A_47 = arith.constant 8 : i32
    %mul3A_48 = arith.muli %add3A, %mul3A_47 : i32
    %add3A_49 = arith.constant 0 : i32
    %add3A_50 = arith.addi %mul3A_48, %add3A_49 : i32
    %get3A = arith.index_cast %add3A_50 : i32 to index
    %get3A_51 = tpu.vector_load %arg8[%get3A] {strides = array<i32>} : memref<272xi32, #tpu.memory_space<vmem>>, vector<16xi32>,
    %slice3A = vector.extract_strided_slice %get3A_51 {offsets = [0], sizes = [1], strides = [1]} : vector<16xi32> to vector<1xi32>
    %squeeze3A = vector.extract %slice3A[0] : i32 from vector<1xi32>
    %broadcast_in_dim3A = vector.broadcast %squeeze3A : i32 to vector<16xi32>
    %scan3A = arith.constant 0 : i32
    %scan3A_52 = arith.constant 0 : i32
    %scan3A_53 = arith.constant 16 : i32
    %scan3A_54 = arith.addi %scan3A_52, %scan3A_53 : i32
    %scan3A_55 = arith.constant 1 : i32
    scf.for %scan3A_176 = %scan3A_52 to %scan3A_54 step %scan3A_55  : i32 {
      %mul3A_177 = arith.constant 16 : i32
      %mul3A_178 = arith.muli %scan3A_176, %mul3A_177 : i32
      %add3A_179 = arith.constant 0 : i32
      %add3A_180 = arith.addi %add3A_179, %mul3A_178 : i32
      %get3A_181 = arith.index_cast %add3A_180 : i32 to index
      %get3A_182 = tpu.vector_load %arg7[%get3A_181] {strides = array<i32>} : memref<2048xi32, #tpu.memory_space<vmem>>, vector<16xi32>,
      %sub3A_183 = arith.subi %get3A_182, %broadcast_in_dim3A : vector<16xi32>
      %jit3A_184 = arith.constant -128 : i32
      %jit3A_185 = arith.constant 128 : i32
      %max3A = vector.broadcast %jit3A_184 : i32 to vector<16xi32>
      %max3A_186 = arith.maxsi %max3A, %sub3A_183 : vector<16xi32>
      %min3A = vector.broadcast %jit3A_185 : i32 to vector<16xi32>
      %min3A_187 = arith.minsi %min3A, %max3A_186 : vector<16xi32>
      %add3A_188 = arith.constant 128 : i32
      %add3A_189 = vector.broadcast %add3A_188 : i32 to vector<16xi32>
      %add3A_190 = arith.addi %min3A_187, %add3A_189 : vector<16xi32>
      %mul3A_191 = arith.constant 16 : i32
      %mul3A_192 = arith.muli %scan3A_176, %mul3A_191 : i32
      %add3A_193 = arith.constant 0 : i32
      %add3A_194 = arith.addi %add3A_193, %mul3A_192 : i32
      %parallel_loop3A = arith.constant 0 : i32
      %parallel_loop3A_195 = arith.constant 16 : i32
      %parallel_loop3A_196 = arith.constant 1 : i32
      scf.for %parallel_loop3A_197 = %parallel_loop3A to %parallel_loop3A_195 step %parallel_loop3A_196  : i32 {
        %parallel_loop3A_198 = vector.broadcast %parallel_loop3A_197 : i32 to vector<16x1xi32>
        %parallel_loop3A_199 = vector.shape_cast %parallel_loop3A_198 : vector<16x1xi32> to vector<16xi32>
        %parallel_loop3A_200 = tpu.dynamic_gather %add3A_190[%parallel_loop3A_199] in [0] : vector<16xi32>, vector<16xi32> -> vector<16xi32>
        %parallel_loop3A_201 = tpu.vector_load_idx %arg6[%parallel_loop3A_200, %add3A_37] : memref<257x64xf32, #tpu.memory_space<vmem>>[vector<16xi32>, vector<16xi32>], vector<16xf32>,
        %parallel_loop3A_202 = arith.addi %add3A_194, %parallel_loop3A_197 : i32
        %parallel_loop3A_203 = arith.index_cast %parallel_loop3A_202 : i32 to index
        %parallel_loop3A_204 = arith.constant 0 : index
        %parallel_loop3A_205 = tpu.vector_load %arg9[%parallel_loop3A_203, %parallel_loop3A_204] {strides = array<i32>} : memref<512x64xf32, #tpu.memory_space<vmem>>, vector<16xf32>,
        tpu.vector_store %arg9[%parallel_loop3A_203, %parallel_loop3A_204], %parallel_loop3A_201 {strides = array<i32>} : memref<512x64xf32, #tpu.memory_space<vmem>>, vector<16xf32>,
        %parallel_loop3A_206 = tpu.vector_load_idx %arg6[%parallel_loop3A_200, %add3A_40] : memref<257x64xf32, #tpu.memory_space<vmem>>[vector<16xi32>, vector<16xi32>], vector<16xf32>,
        %parallel_loop3A_207 = arith.addi %add3A_194, %parallel_loop3A_197 : i32
        %parallel_loop3A_208 = arith.index_cast %parallel_loop3A_207 : i32 to index
        %parallel_loop3A_209 = arith.constant 16 : index
        %parallel_loop3A_210 = tpu.vector_load %arg9[%parallel_loop3A_208, %parallel_loop3A_209] {strides = array<i32>} : memref<512x64xf32, #tpu.memory_space<vmem>>, vector<16xf32>,
        tpu.vector_store %arg9[%parallel_loop3A_208, %parallel_loop3A_209], %parallel_loop3A_206 {strides = array<i32>} : memref<512x64xf32, #tpu.memory_space<vmem>>, vector<16xf32>,
        %parallel_loop3A_211 = tpu.vector_load_idx %arg6[%parallel_loop3A_200, %add3A_43] : memref<257x64xf32, #tpu.memory_space<vmem>>[vector<16xi32>, vector<16xi32>], vector<16xf32>,
        %parallel_loop3A_212 = arith.addi %add3A_194, %parallel_loop3A_197 : i32
        %parallel_loop3A_213 = arith.index_cast %parallel_loop3A_212 : i32 to index
        %parallel_loop3A_214 = arith.constant 32 : index
        %parallel_loop3A_215 = tpu.vector_load %arg9[%parallel_loop3A_213, %parallel_loop3A_214] {strides = array<i32>} : memref<512x64xf32, #tpu.memory_space<vmem>>, vector<16xf32>,
        tpu.vector_store %arg9[%parallel_loop3A_213, %parallel_loop3A_214], %parallel_loop3A_211 {strides = array<i32>} : memref<512x64xf32, #tpu.memory_space<vmem>>, vector<16xf32>,
        %parallel_loop3A_216 = tpu.vector_load_idx %arg6[%parallel_loop3A_200, %add3A_46] : memref<257x64xf32, #tpu.memory_space<vmem>>[vector<16xi32>, vector<16xi32>], vector<16xf32>,
        %parallel_loop3A_217 = arith.addi %add3A_194, %parallel_loop3A_197 : i32
        %parallel_loop3A_218 = arith.index_cast %parallel_loop3A_217 : i32 to index
        %parallel_loop3A_219 = arith.constant 48 : index
        %parallel_loop3A_220 = tpu.vector_load %arg9[%parallel_loop3A_218, %parallel_loop3A_219] {strides = array<i32>} : memref<512x64xf32, #tpu.memory_space<vmem>>, vector<16xf32>,
        tpu.vector_store %arg9[%parallel_loop3A_218, %parallel_loop3A_219], %parallel_loop3A_216 {strides = array<i32>} : memref<512x64xf32, #tpu.memory_space<vmem>>, vector<16xf32>,
      } {sc.loop_unroll_factor = 16 : i64, sc.parallel_access}
    }
    %scan3A_56 = arith.constant 16 : i32
    %jit3A_57 = arith.constant 4 : i32
    %eq3A = arith.constant 0 : i32
    %eq3A_58 = arith.cmpi eq, %jit3A_57, %eq3A : i32
    %jit3A_59 = arith.constant 1 : i32
    %select_n3A_60 = arith.select %eq3A_58, %jit3A_59, %jit3A_57 : i32
    %rem3A_61 = arith.remsi %add3A, %select_n3A_60 : i32
    %ne3A_62 = arith.constant 0 : i32
    %ne3A_63 = arith.cmpi ne, %rem3A_61, %ne3A_62 : i32
    %lt3A = arith.constant 0 : i32
    %lt3A_64 = arith.cmpi slt, %rem3A_61, %lt3A : i32
    %lt3A_65 = arith.constant 0 : i32
    %lt3A_66 = arith.cmpi slt, %select_n3A_60, %lt3A_65 : i32
    %ne3A_67 = arith.xori %lt3A_64, %lt3A_66 : i1
    %and3A_68 = arith.andi %ne3A_67, %ne3A_63 : i1
    %add3A_69 = arith.addi %rem3A_61, %select_n3A_60 : i32
    %select_n3A_70 = arith.select %and3A_68, %add3A_69, %rem3A_61 : i32
    %mul3A_71 = arith.constant 8 : i32
    %mul3A_72 = arith.muli %select_n3A_70, %mul3A_71 : i32
    %add3A_73 = arith.constant 0 : i32
    %add3A_74 = arith.addi %mul3A_72, %add3A_73 : i32
    %dma_start3A_75 = arith.constant 0 : i32
    %dma_start3A_76 = arith.constant 0 : i32
    %dma_start3A_77 = tpu.memref_slice %arg9[%dma_start3A_75, %dma_start3A_76] : memref<512x64xf32, #tpu.memory_space<vmem>> -> memref<256x64xf32, #tpu.memory_space<vmem>>
    %dma_start3A_78 = arith.constant 0 : i32
    %dma_start3A_79 = arith.constant 0 : i32
    %dma_start3A_80 = tpu.memref_slice %arg5[%select_n3A, %add3A_74, %dma_start3A_78, %dma_start3A_79] : memref<8x32x2048x64xf32, #tpu.memory_space<hbm>> -> memref<1x1x256x64xf32, #tpu.memory_space<hbm>>
    %dma_start3A_81 = tpu.memref_squeeze %dma_start3A_80 : memref<1x1x256x64xf32, #tpu.memory_space<hbm>> -> memref<256x64xf32, #tpu.memory_space<hbm>>
    %dma_start3A_82 = arith.constant 0 : i32
    %dma_start3A_83 = arith.constant 0 : i32
    %dma_start3A_84 = tpu.memref_slice %arg5[%select_n3A, %add3A_74, %dma_start3A_82, %dma_start3A_83] : memref<8x32x2048x64xf32, #tpu.memory_space<hbm>> -> memref<1x1x256x64xf32, #tpu.memory_space<hbm>>
    %dma_start3A_85 = tpu.memref_squeeze %dma_start3A_84 : memref<1x1x256x64xf32, #tpu.memory_space<hbm>> -> memref<256x64xf32, #tpu.memory_space<hbm>>
    %dma_start3A_86 = arith.constant 0 : i32
    %dma_start3A_87 = arith.constant 0 : i32
    %dma_start3A_88 = tpu.memref_slice %arg9[%dma_start3A_86, %dma_start3A_87] : memref<512x64xf32, #tpu.memory_space<vmem>> -> memref<256x64xf32, #tpu.memory_space<vmem>>
    tpu.enqueue_dma source(%dma_start3A_88 : memref<256x64xf32, #tpu.memory_space<vmem>>) target(%dma_start3A_85 : memref<256x64xf32, #tpu.memory_space<hbm>>) target_semaphore(%arg10 : memref<!tpu.dma_semaphore, #tpu.memory_space<semaphore_mem>>)
    %mul3A_89 = arith.constant 8 : i32
    %mul3A_90 = arith.muli %add3A, %mul3A_89 : i32
    %add3A_91 = arith.constant 0 : i32
    %add3A_92 = arith.addi %mul3A_90, %add3A_91 : i32
    %get3A_93 = arith.index_cast %add3A_92 : i32 to index
    %get3A_94 = tpu.vector_load %arg8[%get3A_93] {strides = array<i32>} : memref<272xi32, #tpu.memory_space<vmem>>, vector<16xi32>,
    %slice3A_95 = vector.extract_strided_slice %get3A_94 {offsets = [0], sizes = [1], strides = [1]} : vector<16xi32> to vector<1xi32>
    %squeeze3A_96 = vector.extract %slice3A_95[0] : i32 from vector<1xi32>
    %broadcast_in_dim3A_97 = vector.broadcast %squeeze3A_96 : i32 to vector<16xi32>
    %scan3A_98 = arith.constant 0 : i32
    %scan3A_99 = arith.constant 0 : i32
    %scan3A_100 = arith.constant 16 : i32
    %scan3A_101 = arith.addi %scan3A_99, %scan3A_100 : i32
    %scan3A_102 = arith.constant 1 : i32
    scf.for %scan3A_176 = %scan3A_99 to %scan3A_101 step %scan3A_102  : i32 {
      %mul3A_177 = arith.constant 16 : i32
      %mul3A_178 = arith.muli %scan3A_176, %mul3A_177 : i32
      %add3A_179 = arith.constant 256 : i32
      %add3A_180 = arith.addi %add3A_179, %mul3A_178 : i32
      %get3A_181 = arith.index_cast %add3A_180 : i32 to index
      %get3A_182 = tpu.vector_load %arg7[%get3A_181] {strides = array<i32>} : memref<2048xi32, #tpu.memory_space<vmem>>, vector<16xi32>,
      %sub3A_183 = arith.subi %get3A_182, %broadcast_in_dim3A_97 : vector<16xi32>
      %jit3A_184 = arith.constant -128 : i32
      %jit3A_185 = arith.constant 128 : i32
      %max3A = vector.broadcast %jit3A_184 : i32 to vector<16xi32>
      %max3A_186 = arith.maxsi %max3A, %sub3A_183 : vector<16xi32>
      %min3A = vector.broadcast %jit3A_185 : i32 to vector<16xi32>
      %min3A_187 = arith.minsi %min3A, %max3A_186 : vector<16xi32>
      %add3A_188 = arith.constant 128 : i32
      %add3A_189 = vector.broadcast %add3A_188 : i32 to vector<16xi32>
      %add3A_190 = arith.addi %min3A_187, %add3A_189 : vector<16xi32>
      %mul3A_191 = arith.constant 16 : i32
      %mul3A_192 = arith.muli %scan3A_176, %mul3A_191 : i32
      %add3A_193 = arith.constant 256 : i32
      %add3A_194 = arith.addi %add3A_193, %mul3A_192 : i32
      %parallel_loop3A = arith.constant 0 : i32
      %parallel_loop3A_195 = arith.constant 16 : i32
      %parallel_loop3A_196 = arith.constant 1 : i32
      scf.for %parallel_loop3A_197 = %parallel_loop3A to %parallel_loop3A_195 step %parallel_loop3A_196  : i32 {
        %parallel_loop3A_198 = vector.broadcast %parallel_loop3A_197 : i32 to vector<16x1xi32>
        %parallel_loop3A_199 = vector.shape_cast %parallel_loop3A_198 : vector<16x1xi32> to vector<16xi32>
        %parallel_loop3A_200 = tpu.dynamic_gather %add3A_190[%parallel_loop3A_199] in [0] : vector<16xi32>, vector<16xi32> -> vector<16xi32>
        %parallel_loop3A_201 = tpu.vector_load_idx %arg6[%parallel_loop3A_200, %add3A_37] : memref<257x64xf32, #tpu.memory_space<vmem>>[vector<16xi32>, vector<16xi32>], vector<16xf32>,
        %parallel_loop3A_202 = arith.addi %add3A_194, %parallel_loop3A_197 : i32
        %parallel_loop3A_203 = arith.index_cast %parallel_loop3A_202 : i32 to index
        %parallel_loop3A_204 = arith.constant 0 : index
        %parallel_loop3A_205 = tpu.vector_load %arg9[%parallel_loop3A_203, %parallel_loop3A_204] {strides = array<i32>} : memref<512x64xf32, #tpu.memory_space<vmem>>, vector<16xf32>,
        tpu.vector_store %arg9[%parallel_loop3A_203, %parallel_loop3A_204], %parallel_loop3A_201 {strides = array<i32>} : memref<512x64xf32, #tpu.memory_space<vmem>>, vector<16xf32>,
        %parallel_loop3A_206 = tpu.vector_load_idx %arg6[%parallel_loop3A_200, %add3A_40] : memref<257x64xf32, #tpu.memory_space<vmem>>[vector<16xi32>, vector<16xi32>], vector<16xf32>,
        %parallel_loop3A_207 = arith.addi %add3A_194, %parallel_loop3A_197 : i32
        %parallel_loop3A_208 = arith.index_cast %parallel_loop3A_207 : i32 to index
        %parallel_loop3A_209 = arith.constant 16 : index
        %parallel_loop3A_210 = tpu.vector_load %arg9[%parallel_loop3A_208, %parallel_loop3A_209] {strides = array<i32>} : memref<512x64xf32, #tpu.memory_space<vmem>>, vector<16xf32>,
        tpu.vector_store %arg9[%parallel_loop3A_208, %parallel_loop3A_209], %parallel_loop3A_206 {strides = array<i32>} : memref<512x64xf32, #tpu.memory_space<vmem>>, vector<16xf32>,
        %parallel_loop3A_211 = tpu.vector_load_idx %arg6[%parallel_loop3A_200, %add3A_43] : memref<257x64xf32, #tpu.memory_space<vmem>>[vector<16xi32>, vector<16xi32>], vector<16xf32>,
        %parallel_loop3A_212 = arith.addi %add3A_194, %parallel_loop3A_197 : i32
        %parallel_loop3A_213 = arith.index_cast %parallel_loop3A_212 : i32 to index
        %parallel_loop3A_214 = arith.constant 32 : index
        %parallel_loop3A_215 = tpu.vector_load %arg9[%parallel_loop3A_213, %parallel_loop3A_214] {strides = array<i32>} : memref<512x64xf32, #tpu.memory_space<vmem>>, vector<16xf32>,
        tpu.vector_store %arg9[%parallel_loop3A_213, %parallel_loop3A_214], %parallel_loop3A_211 {strides = array<i32>} : memref<512x64xf32, #tpu.memory_space<vmem>>, vector<16xf32>,
        %parallel_loop3A_216 = tpu.vector_load_idx %arg6[%parallel_loop3A_200, %add3A_46] : memref<257x64xf32, #tpu.memory_space<vmem>>[vector<16xi32>, vector<16xi32>], vector<16xf32>,
        %parallel_loop3A_217 = arith.addi %add3A_194, %parallel_loop3A_197 : i32
        %parallel_loop3A_218 = arith.index_cast %parallel_loop3A_217 : i32 to index
        %parallel_loop3A_219 = arith.constant 48 : index
        %parallel_loop3A_220 = tpu.vector_load %arg9[%parallel_loop3A_218, %parallel_loop3A_219] {strides = array<i32>} : memref<512x64xf32, #tpu.memory_space<vmem>>, vector<16xf32>,
        tpu.vector_store %arg9[%parallel_loop3A_218, %parallel_loop3A_219], %parallel_loop3A_216 {strides = array<i32>} : memref<512x64xf32, #tpu.memory_space<vmem>>, vector<16xf32>,
      } {sc.loop_unroll_factor = 16 : i64, sc.parallel_access}
    }
    %scan3A_103 = arith.constant 16 : i32
    %jit3A_104 = arith.constant 4 : i32
    %eq3A_105 = arith.constant 0 : i32
    %eq3A_106 = arith.cmpi eq, %jit3A_104, %eq3A_105 : i32
    %jit3A_107 = arith.constant 1 : i32
    %select_n3A_108 = arith.select %eq3A_106, %jit3A_107, %jit3A_104 : i32
    %rem3A_109 = arith.remsi %add3A, %select_n3A_108 : i32
    %ne3A_110 = arith.constant 0 : i32
    %ne3A_111 = arith.cmpi ne, %rem3A_109, %ne3A_110 : i32
    %lt3A_112 = arith.constant 0 : i32
    %lt3A_113 = arith.cmpi slt, %rem3A_109, %lt3A_112 : i32
    %lt3A_114 = arith.constant 0 : i32
    %lt3A_115 = arith.cmpi slt, %select_n3A_108, %lt3A_114 : i32
    %ne3A_116 = arith.xori %lt3A_113, %lt3A_115 : i1
    %and3A_117 = arith.andi %ne3A_116, %ne3A_111 : i1
    %add3A_118 = arith.addi %rem3A_109, %select_n3A_108 : i32
    %select_n3A_119 = arith.select %and3A_117, %add3A_118, %rem3A_109 : i32
    %mul3A_120 = arith.constant 8 : i32
    %mul3A_121 = arith.muli %select_n3A_119, %mul3A_120 : i32
    %add3A_122 = arith.constant 0 : i32
    %add3A_123 = arith.addi %mul3A_121, %add3A_122 : i32
    %dma_start3A_124 = arith.constant 256 : i32
    %dma_start3A_125 = arith.constant 0 : i32
    %dma_start3A_126 = tpu.memref_slice %arg9[%dma_start3A_124, %dma_start3A_125] : memref<512x64xf32, #tpu.memory_space<vmem>> -> memref<256x64xf32, #tpu.memory_space<vmem>>
    %dma_start3A_127 = arith.constant 256 : i32
    %dma_start3A_128 = arith.constant 0 : i32
    %dma_start3A_129 = tpu.memref_slice %arg5[%select_n3A, %add3A_123, %dma_start3A_127, %dma_start3A_128] : memref<8x32x2048x64xf32, #tpu.memory_space<hbm>> -> memref<1x1x256x64xf32, #tpu.memory_space<hbm>>
    %dma_start3A_130 = tpu.memref_squeeze %dma_start3A_129 : memref<1x1x256x64xf32, #tpu.memory_space<hbm>> -> memref<256x64xf32, #tpu.memory_space<hbm>>
    %dma_start3A_131 = arith.constant 256 : i32
    %dma_start3A_132 = arith.constant 0 : i32
    %dma_start3A_133 = tpu.memref_slice %arg5[%select_n3A, %add3A_123, %dma_start3A_131, %dma_start3A_132] : memref<8x32x2048x64xf32, #tpu.memory_space<hbm>> -> memref<1x1x256x64xf32, #tpu.memory_space<hbm>>
    %dma_start3A_134 = tpu.memref_squeeze %dma_start3A_133 : memref<1x1x256x64xf32, #tpu.memory_space<hbm>> -> memref<256x64xf32, #tpu.memory_space<hbm>>
    %dma_start3A_135 = arith.constant 256 : i32
    %dma_start3A_136 = arith.constant 0 : i32
    %dma_start3A_137 = tpu.memref_slice %arg9[%dma_start3A_135, %dma_start3A_136] : memref<512x64xf32, #tpu.memory_space<vmem>> -> memref<256x64xf32, #tpu.memory_space<vmem>>
    tpu.enqueue_dma source(%dma_start3A_137 : memref<256x64xf32, #tpu.memory_space<vmem>>) target(%dma_start3A_134 : memref<256x64xf32, #tpu.memory_space<hbm>>) target_semaphore(%arg11 : memref<!tpu.dma_semaphore, #tpu.memory_space<semaphore_mem>>)
    %scan3A_138 = arith.constant 0 : i32
    %scan3A_139 = arith.constant 1 : i32
    %scan3A_140 = arith.constant 31 : i32
    %scan3A_141 = arith.addi %scan3A_139, %scan3A_140 : i32
    %scan3A_142 = arith.constant 1 : i32
    scf.for %scan3A_176 = %scan3A_139 to %scan3A_141 step %scan3A_142  : i32 {
      %mul3A_177 = arith.constant 2 : i32
      %mul3A_178 = arith.muli %scan3A_176, %mul3A_177 : i32
      %dma_wait3A_179 = arith.constant 0 : i32
      %dma_wait3A_180 = arith.constant 0 : i32
      %dma_wait3A_181 = arith.constant 0 : i32
      %dma_wait3A_182 = arith.constant 0 : i32
      %dma_wait3A_183 = tpu.memref_slice %arg9[%dma_wait3A_181, %dma_wait3A_182] : memref<512x64xf32, #tpu.memory_space<vmem>> -> memref<256x64xf32, #tpu.memory_space<vmem>>
      %dma_wait3A_184 = arith.constant 0 : i32
      %dma_wait3A_185 = arith.constant 0 : i32
      %dma_wait3A_186 = tpu.memref_slice %arg5[%dma_wait3A_179, %dma_wait3A_180, %dma_wait3A_184, %dma_wait3A_185] : memref<8x32x2048x64xf32, #tpu.memory_space<hbm>> -> memref<1x1x256x64xf32, #tpu.memory_space<hbm>>
      %dma_wait3A_187 = tpu.memref_squeeze %dma_wait3A_186 : memref<1x1x256x64xf32, #tpu.memory_space<hbm>> -> memref<256x64xf32, #tpu.memory_space<hbm>>
      %dma_wait3A_188 = arith.constant 0 : i32
      %dma_wait3A_189 = arith.constant 0 : i32
      %dma_wait3A_190 = tpu.memref_slice %arg5[%dma_wait3A_179, %dma_wait3A_180, %dma_wait3A_188, %dma_wait3A_189] : memref<8x32x2048x64xf32, #tpu.memory_space<hbm>> -> memref<1x1x256x64xf32, #tpu.memory_space<hbm>>
      %dma_wait3A_191 = tpu.memref_squeeze %dma_wait3A_190 : memref<1x1x256x64xf32, #tpu.memory_space<hbm>> -> memref<256x64xf32, #tpu.memory_space<hbm>>
      %dma_wait3A_192 = arith.constant 0 : i32
      %dma_wait3A_193 = arith.constant 0 : i32
      %dma_wait3A_194 = tpu.memref_slice %arg9[%dma_wait3A_192, %dma_wait3A_193] : memref<512x64xf32, #tpu.memory_space<vmem>> -> memref<256x64xf32, #tpu.memory_space<vmem>>
      tpu.wait_dma2 semaphore(%arg10 : memref<!tpu.dma_semaphore, #tpu.memory_space<semaphore_mem>>) src(%dma_wait3A_194 : memref<256x64xf32, #tpu.memory_space<vmem>>) dst(%dma_wait3A_191 : memref<256x64xf32, #tpu.memory_space<hbm>>)
      %mul3A_195 = arith.constant 8 : i32
      %mul3A_196 = arith.muli %add3A, %mul3A_195 : i32
      %jit3A_197 = arith.constant 8 : i32
      %div3A_198 = arith.divsi %mul3A_178, %jit3A_197 : i32
      %sign3A_199 = arith.constant 0 : i32
      %sign3A_200 = arith.cmpi sgt, %mul3A_178, %sign3A_199 : i32
      %sign3A_201 = arith.extui %sign3A_200 : i1 to i32
      %sign3A_202 = arith.constant 0 : i32
      %sign3A_203 = arith.cmpi slt, %mul3A_178, %sign3A_202 : i32
      %sign3A_204 = arith.extui %sign3A_203 : i1 to i32
      %sign3A_205 = arith.subi %sign3A_201, %sign3A_204 : i32
      %sign3A_206 = arith.constant 0 : i32
      %sign3A_207 = arith.cmpi sgt, %jit3A_197, %sign3A_206 : i32
      %sign3A_208 = arith.extui %sign3A_207 : i1 to i32
      %sign3A_209 = arith.constant 0 : i32
      %sign3A_210 = arith.cmpi slt, %jit3A_197, %sign3A_209 : i32
      %sign3A_211 = arith.extui %sign3A_210 : i1 to i32
      %sign3A_212 = arith.subi %sign3A_208, %sign3A_211 : i32
      %ne3A_213 = arith.cmpi ne, %sign3A_205, %sign3A_212 : i32
      %rem3A_214 = arith.remsi %mul3A_178, %jit3A_197 : i32
      %ne3A_215 = arith.constant 0 : i32
      %ne3A_216 = arith.cmpi ne, %rem3A_214, %ne3A_215 : i32
      %and3A_217 = arith.andi %ne3A_213, %ne3A_216 : i1
      %sub3A_218 = arith.constant 1 : i32
      %sub3A_219 = arith.subi %div3A_198, %sub3A_218 : i32
      %select_n3A_220 = arith.select %and3A_217, %sub3A_219, %div3A_198 : i32
      %add3A_221 = arith.addi %mul3A_196, %select_n3A_220 : i32
      %get3A_222 = arith.index_cast %add3A_221 : i32 to index
      %get3A_223 = tpu.vector_load %arg8[%get3A_222] {strides = array<i32>} : memref<272xi32, #tpu.memory_space<vmem>>, vector<16xi32>,
      %slice3A_224 = vector.extract_strided_slice %get3A_223 {offsets = [0], sizes = [1], strides = [1]} : vector<16xi32> to vector<1xi32>
      %squeeze3A_225 = vector.extract %slice3A_224[0] : i32 from vector<1xi32>
      %broadcast_in_dim3A_226 = vector.broadcast %squeeze3A_225 : i32 to vector<16xi32>
      %jit3A_227 = arith.constant 8 : i32
      %eq3A_228 = arith.constant 0 : i32
      %eq3A_229 = arith.cmpi eq, %jit3A_227, %eq3A_228 : i32
      %jit3A_230 = arith.constant 1 : i32
      %select_n3A_231 = arith.select %eq3A_229, %jit3A_230, %jit3A_227 : i32
      %rem3A_232 = arith.remsi %mul3A_178, %select_n3A_231 : i32
      %ne3A_233 = arith.constant 0 : i32
      %ne3A_234 = arith.cmpi ne, %rem3A_232, %ne3A_233 : i32
      %lt3A_235 = arith.constant 0 : i32
      %lt3A_236 = arith.cmpi slt, %rem3A_232, %lt3A_235 : i32
      %lt3A_237 = arith.constant 0 : i32
      %lt3A_238 = arith.cmpi slt, %select_n3A_231, %lt3A_237 : i32
      %ne3A_239 = arith.xori %lt3A_236, %lt3A_238 : i1
      %and3A_240 = arith.andi %ne3A_239, %ne3A_234 : i1
      %add3A_241 = arith.addi %rem3A_232, %select_n3A_231 : i32
      %select_n3A_242 = arith.select %and3A_240, %add3A_241, %rem3A_232 : i32
      %mul3A_243 = arith.constant 256 : i32
      %mul3A_244 = arith.muli %select_n3A_242, %mul3A_243 : i32
      %scan3A_245 = arith.constant 0 : i32
      %scan3A_246 = arith.constant 0 : i32
      %scan3A_247 = arith.constant 16 : i32
      %scan3A_248 = arith.addi %scan3A_246, %scan3A_247 : i32
      %scan3A_249 = arith.constant 1 : i32
      scf.for %scan3A_473 = %scan3A_246 to %scan3A_248 step %scan3A_249  : i32 {
        %mul3A_474 = arith.constant 16 : i32
        %mul3A_475 = arith.muli %scan3A_473, %mul3A_474 : i32
        %add3A_476 = arith.addi %mul3A_244, %mul3A_475 : i32
        %get3A_477 = arith.index_cast %add3A_476 : i32 to index
        %get3A_478 = tpu.vector_load %arg7[%get3A_477] {strides = array<i32>} : memref<2048xi32, #tpu.memory_space<vmem>>, vector<16xi32>,
        %sub3A_479 = arith.subi %get3A_478, %broadcast_in_dim3A_226 : vector<16xi32>
        %jit3A_480 = arith.constant -128 : i32
        %jit3A_481 = arith.constant 128 : i32
        %max3A = vector.broadcast %jit3A_480 : i32 to vector<16xi32>
        %max3A_482 = arith.maxsi %max3A, %sub3A_479 : vector<16xi32>
        %min3A = vector.broadcast %jit3A_481 : i32 to vector<16xi32>
        %min3A_483 = arith.minsi %min3A, %max3A_482 : vector<16xi32>
        %add3A_484 = arith.constant 128 : i32
        %add3A_485 = vector.broadcast %add3A_484 : i32 to vector<16xi32>
        %add3A_486 = arith.addi %min3A_483, %add3A_485 : vector<16xi32>
        %mul3A_487 = arith.constant 16 : i32
        %mul3A_488 = arith.muli %scan3A_473, %mul3A_487 : i32
        %add3A_489 = arith.constant 0 : i32
        %add3A_490 = arith.addi %add3A_489, %mul3A_488 : i32
        %parallel_loop3A = arith.constant 0 : i32
        %parallel_loop3A_491 = arith.constant 16 : i32
        %parallel_loop3A_492 = arith.constant 1 : i32
        scf.for %parallel_loop3A_493 = %parallel_loop3A to %parallel_loop3A_491 step %parallel_loop3A_492  : i32 {
          %parallel_loop3A_494 = vector.broadcast %parallel_loop3A_493 : i32 to vector<16x1xi32>
          %parallel_loop3A_495 = vector.shape_cast %parallel_loop3A_494 : vector<16x1xi32> to vector<16xi32>
          %parallel_loop3A_496 = tpu.dynamic_gather %add3A_486[%parallel_loop3A_495] in [0] : vector<16xi32>, vector<16xi32> -> vector<16xi32>
          %parallel_loop3A_497 = tpu.vector_load_idx %arg6[%parallel_loop3A_496, %add3A_37] : memref<257x64xf32, #tpu.memory_space<vmem>>[vector<16xi32>, vector<16xi32>], vector<16xf32>,
          %parallel_loop3A_498 = arith.addi %add3A_490, %parallel_loop3A_493 : i32
          %parallel_loop3A_499 = arith.index_cast %parallel_loop3A_498 : i32 to index
          %parallel_loop3A_500 = arith.constant 0 : index
          %parallel_loop3A_501 = tpu.vector_load %arg9[%parallel_loop3A_499, %parallel_loop3A_500] {strides = array<i32>} : memref<512x64xf32, #tpu.memory_space<vmem>>, vector<16xf32>,
          tpu.vector_store %arg9[%parallel_loop3A_499, %parallel_loop3A_500], %parallel_loop3A_497 {strides = array<i32>} : memref<512x64xf32, #tpu.memory_space<vmem>>, vector<16xf32>,
          %parallel_loop3A_502 = tpu.vector_load_idx %arg6[%parallel_loop3A_496, %add3A_40] : memref<257x64xf32, #tpu.memory_space<vmem>>[vector<16xi32>, vector<16xi32>], vector<16xf32>,
          %parallel_loop3A_503 = arith.addi %add3A_490, %parallel_loop3A_493 : i32
          %parallel_loop3A_504 = arith.index_cast %parallel_loop3A_503 : i32 to index
          %parallel_loop3A_505 = arith.constant 16 : index
          %parallel_loop3A_506 = tpu.vector_load %arg9[%parallel_loop3A_504, %parallel_loop3A_505] {strides = array<i32>} : memref<512x64xf32, #tpu.memory_space<vmem>>, vector<16xf32>,
          tpu.vector_store %arg9[%parallel_loop3A_504, %parallel_loop3A_505], %parallel_loop3A_502 {strides = array<i32>} : memref<512x64xf32, #tpu.memory_space<vmem>>, vector<16xf32>,
          %parallel_loop3A_507 = tpu.vector_load_idx %arg6[%parallel_loop3A_496, %add3A_43] : memref<257x64xf32, #tpu.memory_space<vmem>>[vector<16xi32>, vector<16xi32>], vector<16xf32>,
          %parallel_loop3A_508 = arith.addi %add3A_490, %parallel_loop3A_493 : i32
          %parallel_loop3A_509 = arith.index_cast %parallel_loop3A_508 : i32 to index
          %parallel_loop3A_510 = arith.constant 32 : index
          %parallel_loop3A_511 = tpu.vector_load %arg9[%parallel_loop3A_509, %parallel_loop3A_510] {strides = array<i32>} : memref<512x64xf32, #tpu.memory_space<vmem>>, vector<16xf32>,
          tpu.vector_store %arg9[%parallel_loop3A_509, %parallel_loop3A_510], %parallel_loop3A_507 {strides = array<i32>} : memref<512x64xf32, #tpu.memory_space<vmem>>, vector<16xf32>,
          %parallel_loop3A_512 = tpu.vector_load_idx %arg6[%parallel_loop3A_496, %add3A_46] : memref<257x64xf32, #tpu.memory_space<vmem>>[vector<16xi32>, vector<16xi32>], vector<16xf32>,
          %parallel_loop3A_513 = arith.addi %add3A_490, %parallel_loop3A_493 : i32
          %parallel_loop3A_514 = arith.index_cast %parallel_loop3A_513 : i32 to index
          %parallel_loop3A_515 = arith.constant 48 : index
          %parallel_loop3A_516 = tpu.vector_load %arg9[%parallel_loop3A_514, %parallel_loop3A_515] {strides = array<i32>} : memref<512x64xf32, #tpu.memory_space<vmem>>, vector<16xf32>,
          tpu.vector_store %arg9[%parallel_loop3A_514, %parallel_loop3A_515], %parallel_loop3A_512 {strides = array<i32>} : memref<512x64xf32, #tpu.memory_space<vmem>>, vector<16xf32>,
        } {sc.loop_unroll_factor = 16 : i64, sc.parallel_access}
      }
      %scan3A_250 = arith.constant 16 : i32
      %jit3A_251 = arith.constant 4 : i32
      %eq3A_252 = arith.constant 0 : i32
      %eq3A_253 = arith.cmpi eq, %jit3A_251, %eq3A_252 : i32
      %jit3A_254 = arith.constant 1 : i32
      %select_n3A_255 = arith.select %eq3A_253, %jit3A_254, %jit3A_251 : i32
      %rem3A_256 = arith.remsi %add3A, %select_n3A_255 : i32
      %ne3A_257 = arith.constant 0 : i32
      %ne3A_258 = arith.cmpi ne, %rem3A_256, %ne3A_257 : i32
      %lt3A_259 = arith.constant 0 : i32
      %lt3A_260 = arith.cmpi slt, %rem3A_256, %lt3A_259 : i32
      %lt3A_261 = arith.constant 0 : i32
      %lt3A_262 = arith.cmpi slt, %select_n3A_255, %lt3A_261 : i32
      %ne3A_263 = arith.xori %lt3A_260, %lt3A_262 : i1
      %and3A_264 = arith.andi %ne3A_263, %ne3A_258 : i1
      %add3A_265 = arith.addi %rem3A_256, %select_n3A_255 : i32
      %select_n3A_266 = arith.select %and3A_264, %add3A_265, %rem3A_256 : i32
      %mul3A_267 = arith.constant 8 : i32
      %mul3A_268 = arith.muli %select_n3A_266, %mul3A_267 : i32
      %jit3A_269 = arith.constant 8 : i32
      %div3A_270 = arith.divsi %mul3A_178, %jit3A_269 : i32
      %sign3A_271 = arith.constant 0 : i32
      %sign3A_272 = arith.cmpi sgt, %mul3A_178, %sign3A_271 : i32
      %sign3A_273 = arith.extui %sign3A_272 : i1 to i32
      %sign3A_274 = arith.constant 0 : i32
      %sign3A_275 = arith.cmpi slt, %mul3A_178, %sign3A_274 : i32
      %sign3A_276 = arith.extui %sign3A_275 : i1 to i32
      %sign3A_277 = arith.subi %sign3A_273, %sign3A_276 : i32
      %sign3A_278 = arith.constant 0 : i32
      %sign3A_279 = arith.cmpi sgt, %jit3A_269, %sign3A_278 : i32
      %sign3A_280 = arith.extui %sign3A_279 : i1 to i32
      %sign3A_281 = arith.constant 0 : i32
      %sign3A_282 = arith.cmpi slt, %jit3A_269, %sign3A_281 : i32
      %sign3A_283 = arith.extui %sign3A_282 : i1 to i32
      %sign3A_284 = arith.subi %sign3A_280, %sign3A_283 : i32
      %ne3A_285 = arith.cmpi ne, %sign3A_277, %sign3A_284 : i32
      %rem3A_286 = arith.remsi %mul3A_178, %jit3A_269 : i32
      %ne3A_287 = arith.constant 0 : i32
      %ne3A_288 = arith.cmpi ne, %rem3A_286, %ne3A_287 : i32
      %and3A_289 = arith.andi %ne3A_285, %ne3A_288 : i1
      %sub3A_290 = arith.constant 1 : i32
      %sub3A_291 = arith.subi %div3A_270, %sub3A_290 : i32
      %select_n3A_292 = arith.select %and3A_289, %sub3A_291, %div3A_270 : i32
      %add3A_293 = arith.addi %mul3A_268, %select_n3A_292 : i32
      %jit3A_294 = arith.constant 8 : i32
      %eq3A_295 = arith.constant 0 : i32
      %eq3A_296 = arith.cmpi eq, %jit3A_294, %eq3A_295 : i32
      %jit3A_297 = arith.constant 1 : i32
      %select_n3A_298 = arith.select %eq3A_296, %jit3A_297, %jit3A_294 : i32
      %rem3A_299 = arith.remsi %mul3A_178, %select_n3A_298 : i32
      %ne3A_300 = arith.constant 0 : i32
      %ne3A_301 = arith.cmpi ne, %rem3A_299, %ne3A_300 : i32
      %lt3A_302 = arith.constant 0 : i32
      %lt3A_303 = arith.cmpi slt, %rem3A_299, %lt3A_302 : i32
      %lt3A_304 = arith.constant 0 : i32
      %lt3A_305 = arith.cmpi slt, %select_n3A_298, %lt3A_304 : i32
      %ne3A_306 = arith.xori %lt3A_303, %lt3A_305 : i1
      %and3A_307 = arith.andi %ne3A_306, %ne3A_301 : i1
      %add3A_308 = arith.addi %rem3A_299, %select_n3A_298 : i32
      %select_n3A_309 = arith.select %and3A_307, %add3A_308, %rem3A_299 : i32
      %mul3A_310 = arith.constant 256 : i32
      %mul3A_311 = arith.muli %select_n3A_309, %mul3A_310 : i32
      %dma_start3A_312 = arith.constant 0 : i32
      %dma_start3A_313 = arith.constant 0 : i32
      %dma_start3A_314 = tpu.memref_slice %arg9[%dma_start3A_312, %dma_start3A_313] : memref<512x64xf32, #tpu.memory_space<vmem>> -> memref<256x64xf32, #tpu.memory_space<vmem>>
      %dma_start3A_315 = arith.constant 0 : i32
      %dma_start3A_316 = tpu.memref_slice %arg5[%select_n3A, %add3A_293, %mul3A_311, %dma_start3A_315] : memref<8x32x2048x64xf32, #tpu.memory_space<hbm>> -> memref<1x1x256x64xf32, #tpu.memory_space<hbm>>
      %dma_start3A_317 = tpu.memref_squeeze %dma_start3A_316 : memref<1x1x256x64xf32, #tpu.memory_space<hbm>> -> memref<256x64xf32, #tpu.memory_space<hbm>>
      %dma_start3A_318 = arith.constant 0 : i32
      %dma_start3A_319 = tpu.memref_slice %arg5[%select_n3A, %add3A_293, %mul3A_311, %dma_start3A_318] : memref<8x32x2048x64xf32, #tpu.memory_space<hbm>> -> memref<1x1x256x64xf32, #tpu.memory_space<hbm>>
      %dma_start3A_320 = tpu.memref_squeeze %dma_start3A_319 : memref<1x1x256x64xf32, #tpu.memory_space<hbm>> -> memref<256x64xf32, #tpu.memory_space<hbm>>
      %dma_start3A_321 = arith.constant 0 : i32
      %dma_start3A_322 = arith.constant 0 : i32
      %dma_start3A_323 = tpu.memref_slice %arg9[%dma_start3A_321, %dma_start3A_322] : memref<512x64xf32, #tpu.memory_space<vmem>> -> memref<256x64xf32, #tpu.memory_space<vmem>>
      tpu.enqueue_dma source(%dma_start3A_323 : memref<256x64xf32, #tpu.memory_space<vmem>>) target(%dma_start3A_320 : memref<256x64xf32, #tpu.memory_space<hbm>>) target_semaphore(%arg10 : memref<!tpu.dma_semaphore, #tpu.memory_space<semaphore_mem>>)
      %dma_wait3A_324 = arith.constant 0 : i32
      %dma_wait3A_325 = arith.constant 0 : i32
      %dma_wait3A_326 = arith.constant 256 : i32
      %dma_wait3A_327 = arith.constant 0 : i32
      %dma_wait3A_328 = tpu.memref_slice %arg9[%dma_wait3A_326, %dma_wait3A_327] : memref<512x64xf32, #tpu.memory_space<vmem>> -> memref<256x64xf32, #tpu.memory_space<vmem>>
      %dma_wait3A_329 = arith.constant 0 : i32
      %dma_wait3A_330 = arith.constant 0 : i32
      %dma_wait3A_331 = tpu.memref_slice %arg5[%dma_wait3A_324, %dma_wait3A_325, %dma_wait3A_329, %dma_wait3A_330] : memref<8x32x2048x64xf32, #tpu.memory_space<hbm>> -> memref<1x1x256x64xf32, #tpu.memory_space<hbm>>
      %dma_wait3A_332 = tpu.memref_squeeze %dma_wait3A_331 : memref<1x1x256x64xf32, #tpu.memory_space<hbm>> -> memref<256x64xf32, #tpu.memory_space<hbm>>
      %dma_wait3A_333 = arith.constant 0 : i32
      %dma_wait3A_334 = arith.constant 0 : i32
      %dma_wait3A_335 = tpu.memref_slice %arg5[%dma_wait3A_324, %dma_wait3A_325, %dma_wait3A_333, %dma_wait3A_334] : memref<8x32x2048x64xf32, #tpu.memory_space<hbm>> -> memref<1x1x256x64xf32, #tpu.memory_space<hbm>>
      %dma_wait3A_336 = tpu.memref_squeeze %dma_wait3A_335 : memref<1x1x256x64xf32, #tpu.memory_space<hbm>> -> memref<256x64xf32, #tpu.memory_space<hbm>>
      %dma_wait3A_337 = arith.constant 256 : i32
      %dma_wait3A_338 = arith.constant 0 : i32
      %dma_wait3A_339 = tpu.memref_slice %arg9[%dma_wait3A_337, %dma_wait3A_338] : memref<512x64xf32, #tpu.memory_space<vmem>> -> memref<256x64xf32, #tpu.memory_space<vmem>>
      tpu.wait_dma2 semaphore(%arg11 : memref<!tpu.dma_semaphore, #tpu.memory_space<semaphore_mem>>) src(%dma_wait3A_339 : memref<256x64xf32, #tpu.memory_space<vmem>>) dst(%dma_wait3A_336 : memref<256x64xf32, #tpu.memory_space<hbm>>)
      %add3A_340 = arith.constant 1 : i32
      %add3A_341 = arith.addi %mul3A_178, %add3A_340 : i32
      %mul3A_342 = arith.constant 8 : i32
      %mul3A_343 = arith.muli %add3A, %mul3A_342 : i32
      %jit3A_344 = arith.constant 8 : i32
      %div3A_345 = arith.divsi %add3A_341, %jit3A_344 : i32
      %sign3A_346 = arith.constant 0 : i32
      %sign3A_347 = arith.cmpi sgt, %add3A_341, %sign3A_346 : i32
      %sign3A_348 = arith.extui %sign3A_347 : i1 to i32
      %sign3A_349 = arith.constant 0 : i32
      %sign3A_350 = arith.cmpi slt, %add3A_341, %sign3A_349 : i32
      %sign3A_351 = arith.extui %sign3A_350 : i1 to i32
      %sign3A_352 = arith.subi %sign3A_348, %sign3A_351 : i32
      %sign3A_353 = arith.constant 0 : i32
      %sign3A_354 = arith.cmpi sgt, %jit3A_344, %sign3A_353 : i32
      %sign3A_355 = arith.extui %sign3A_354 : i1 to i32
      %sign3A_356 = arith.constant 0 : i32
      %sign3A_357 = arith.cmpi slt, %jit3A_344, %sign3A_356 : i32
      %sign3A_358 = arith.extui %sign3A_357 : i1 to i32
      %sign3A_359 = arith.subi %sign3A_355, %sign3A_358 : i32
      %ne3A_360 = arith.cmpi ne, %sign3A_352, %sign3A_359 : i32
      %rem3A_361 = arith.remsi %add3A_341, %jit3A_344 : i32
      %ne3A_362 = arith.constant 0 : i32
      %ne3A_363 = arith.cmpi ne, %rem3A_361, %ne3A_362 : i32
      %and3A_364 = arith.andi %ne3A_360, %ne3A_363 : i1
      %sub3A_365 = arith.constant 1 : i32
      %sub3A_366 = arith.subi %div3A_345, %sub3A_365 : i32
      %select_n3A_367 = arith.select %and3A_364, %sub3A_366, %div3A_345 : i32
      %add3A_368 = arith.addi %mul3A_343, %select_n3A_367 : i32
      %get3A_369 = arith.index_cast %add3A_368 : i32 to index
      %get3A_370 = tpu.vector_load %arg8[%get3A_369] {strides = array<i32>} : memref<272xi32, #tpu.memory_space<vmem>>, vector<16xi32>,
      %slice3A_371 = vector.extract_strided_slice %get3A_370 {offsets = [0], sizes = [1], strides = [1]} : vector<16xi32> to vector<1xi32>
      %squeeze3A_372 = vector.extract %slice3A_371[0] : i32 from vector<1xi32>
      %broadcast_in_dim3A_373 = vector.broadcast %squeeze3A_372 : i32 to vector<16xi32>
      %jit3A_374 = arith.constant 8 : i32
      %eq3A_375 = arith.constant 0 : i32
      %eq3A_376 = arith.cmpi eq, %jit3A_374, %eq3A_375 : i32
      %jit3A_377 = arith.constant 1 : i32
      %select_n3A_378 = arith.select %eq3A_376, %jit3A_377, %jit3A_374 : i32
      %rem3A_379 = arith.remsi %add3A_341, %select_n3A_378 : i32
      %ne3A_380 = arith.constant 0 : i32
      %ne3A_381 = arith.cmpi ne, %rem3A_379, %ne3A_380 : i32
      %lt3A_382 = arith.constant 0 : i32
      %lt3A_383 = arith.cmpi slt, %rem3A_379, %lt3A_382 : i32
      %lt3A_384 = arith.constant 0 : i32
      %lt3A_385 = arith.cmpi slt, %select_n3A_378, %lt3A_384 : i32
      %ne3A_386 = arith.xori %lt3A_383, %lt3A_385 : i1
      %and3A_387 = arith.andi %ne3A_386, %ne3A_381 : i1
      %add3A_388 = arith.addi %rem3A_379, %select_n3A_378 : i32
      %select_n3A_389 = arith.select %and3A_387, %add3A_388, %rem3A_379 : i32
      %mul3A_390 = arith.constant 256 : i32
      %mul3A_391 = arith.muli %select_n3A_389, %mul3A_390 : i32
      %scan3A_392 = arith.constant 0 : i32
      %scan3A_393 = arith.constant 0 : i32
      %scan3A_394 = arith.constant 16 : i32
      %scan3A_395 = arith.addi %scan3A_393, %scan3A_394 : i32
      %scan3A_396 = arith.constant 1 : i32
      scf.for %scan3A_473 = %scan3A_393 to %scan3A_395 step %scan3A_396  : i32 {
        %mul3A_474 = arith.constant 16 : i32
        %mul3A_475 = arith.muli %scan3A_473, %mul3A_474 : i32
        %add3A_476 = arith.addi %mul3A_391, %mul3A_475 : i32
        %get3A_477 = arith.index_cast %add3A_476 : i32 to index
        %get3A_478 = tpu.vector_load %arg7[%get3A_477] {strides = array<i32>} : memref<2048xi32, #tpu.memory_space<vmem>>, vector<16xi32>,
        %sub3A_479 = arith.subi %get3A_478, %broadcast_in_dim3A_373 : vector<16xi32>
        %jit3A_480 = arith.constant -128 : i32
        %jit3A_481 = arith.constant 128 : i32
        %max3A = vector.broadcast %jit3A_480 : i32 to vector<16xi32>
        %max3A_482 = arith.maxsi %max3A, %sub3A_479 : vector<16xi32>
        %min3A = vector.broadcast %jit3A_481 : i32 to vector<16xi32>
        %min3A_483 = arith.minsi %min3A, %max3A_482 : vector<16xi32>
        %add3A_484 = arith.constant 128 : i32
        %add3A_485 = vector.broadcast %add3A_484 : i32 to vector<16xi32>
        %add3A_486 = arith.addi %min3A_483, %add3A_485 : vector<16xi32>
        %mul3A_487 = arith.constant 16 : i32
        %mul3A_488 = arith.muli %scan3A_473, %mul3A_487 : i32
        %add3A_489 = arith.constant 256 : i32
        %add3A_490 = arith.addi %add3A_489, %mul3A_488 : i32
        %parallel_loop3A = arith.constant 0 : i32
        %parallel_loop3A_491 = arith.constant 16 : i32
        %parallel_loop3A_492 = arith.constant 1 : i32
        scf.for %parallel_loop3A_493 = %parallel_loop3A to %parallel_loop3A_491 step %parallel_loop3A_492  : i32 {
          %parallel_loop3A_494 = vector.broadcast %parallel_loop3A_493 : i32 to vector<16x1xi32>
          %parallel_loop3A_495 = vector.shape_cast %parallel_loop3A_494 : vector<16x1xi32> to vector<16xi32>
          %parallel_loop3A_496 = tpu.dynamic_gather %add3A_486[%parallel_loop3A_495] in [0] : vector<16xi32>, vector<16xi32> -> vector<16xi32>
          %parallel_loop3A_497 = tpu.vector_load_idx %arg6[%parallel_loop3A_496, %add3A_37] : memref<257x64xf32, #tpu.memory_space<vmem>>[vector<16xi32>, vector<16xi32>], vector<16xf32>,
          %parallel_loop3A_498 = arith.addi %add3A_490, %parallel_loop3A_493 : i32
          %parallel_loop3A_499 = arith.index_cast %parallel_loop3A_498 : i32 to index
          %parallel_loop3A_500 = arith.constant 0 : index
          %parallel_loop3A_501 = tpu.vector_load %arg9[%parallel_loop3A_499, %parallel_loop3A_500] {strides = array<i32>} : memref<512x64xf32, #tpu.memory_space<vmem>>, vector<16xf32>,
          tpu.vector_store %arg9[%parallel_loop3A_499, %parallel_loop3A_500], %parallel_loop3A_497 {strides = array<i32>} : memref<512x64xf32, #tpu.memory_space<vmem>>, vector<16xf32>,
          %parallel_loop3A_502 = tpu.vector_load_idx %arg6[%parallel_loop3A_496, %add3A_40] : memref<257x64xf32, #tpu.memory_space<vmem>>[vector<16xi32>, vector<16xi32>], vector<16xf32>,
          %parallel_loop3A_503 = arith.addi %add3A_490, %parallel_loop3A_493 : i32
          %parallel_loop3A_504 = arith.index_cast %parallel_loop3A_503 : i32 to index
          %parallel_loop3A_505 = arith.constant 16 : index
          %parallel_loop3A_506 = tpu.vector_load %arg9[%parallel_loop3A_504, %parallel_loop3A_505] {strides = array<i32>} : memref<512x64xf32, #tpu.memory_space<vmem>>, vector<16xf32>,
          tpu.vector_store %arg9[%parallel_loop3A_504, %parallel_loop3A_505], %parallel_loop3A_502 {strides = array<i32>} : memref<512x64xf32, #tpu.memory_space<vmem>>, vector<16xf32>,
          %parallel_loop3A_507 = tpu.vector_load_idx %arg6[%parallel_loop3A_496, %add3A_43] : memref<257x64xf32, #tpu.memory_space<vmem>>[vector<16xi32>, vector<16xi32>], vector<16xf32>,
          %parallel_loop3A_508 = arith.addi %add3A_490, %parallel_loop3A_493 : i32
          %parallel_loop3A_509 = arith.index_cast %parallel_loop3A_508 : i32 to index
          %parallel_loop3A_510 = arith.constant 32 : index
          %parallel_loop3A_511 = tpu.vector_load %arg9[%parallel_loop3A_509, %parallel_loop3A_510] {strides = array<i32>} : memref<512x64xf32, #tpu.memory_space<vmem>>, vector<16xf32>,
          tpu.vector_store %arg9[%parallel_loop3A_509, %parallel_loop3A_510], %parallel_loop3A_507 {strides = array<i32>} : memref<512x64xf32, #tpu.memory_space<vmem>>, vector<16xf32>,
          %parallel_loop3A_512 = tpu.vector_load_idx %arg6[%parallel_loop3A_496, %add3A_46] : memref<257x64xf32, #tpu.memory_space<vmem>>[vector<16xi32>, vector<16xi32>], vector<16xf32>,
          %parallel_loop3A_513 = arith.addi %add3A_490, %parallel_loop3A_493 : i32
          %parallel_loop3A_514 = arith.index_cast %parallel_loop3A_513 : i32 to index
          %parallel_loop3A_515 = arith.constant 48 : index
          %parallel_loop3A_516 = tpu.vector_load %arg9[%parallel_loop3A_514, %parallel_loop3A_515] {strides = array<i32>} : memref<512x64xf32, #tpu.memory_space<vmem>>, vector<16xf32>,
          tpu.vector_store %arg9[%parallel_loop3A_514, %parallel_loop3A_515], %parallel_loop3A_512 {strides = array<i32>} : memref<512x64xf32, #tpu.memory_space<vmem>>, vector<16xf32>,
        } {sc.loop_unroll_factor = 16 : i64, sc.parallel_access}
      }
      %scan3A_397 = arith.constant 16 : i32
      %add3A_398 = arith.constant 1 : i32
      %add3A_399 = arith.addi %mul3A_178, %add3A_398 : i32
      %jit3A_400 = arith.constant 4 : i32
      %eq3A_401 = arith.constant 0 : i32
      %eq3A_402 = arith.cmpi eq, %jit3A_400, %eq3A_401 : i32
      %jit3A_403 = arith.constant 1 : i32
      %select_n3A_404 = arith.select %eq3A_402, %jit3A_403, %jit3A_400 : i32
      %rem3A_405 = arith.remsi %add3A, %select_n3A_404 : i32
      %ne3A_406 = arith.constant 0 : i32
      %ne3A_407 = arith.cmpi ne, %rem3A_405, %ne3A_406 : i32
      %lt3A_408 = arith.constant 0 : i32
      %lt3A_409 = arith.cmpi slt, %rem3A_405, %lt3A_408 : i32
      %lt3A_410 = arith.constant 0 : i32
      %lt3A_411 = arith.cmpi slt, %select_n3A_404, %lt3A_410 : i32
      %ne3A_412 = arith.xori %lt3A_409, %lt3A_411 : i1
      %and3A_413 = arith.andi %ne3A_412, %ne3A_407 : i1
      %add3A_414 = arith.addi %rem3A_405, %select_n3A_404 : i32
      %select_n3A_415 = arith.select %and3A_413, %add3A_414, %rem3A_405 : i32
      %mul3A_416 = arith.constant 8 : i32
      %mul3A_417 = arith.muli %select_n3A_415, %mul3A_416 : i32
      %jit3A_418 = arith.constant 8 : i32
      %div3A_419 = arith.divsi %add3A_399, %jit3A_418 : i32
      %sign3A_420 = arith.constant 0 : i32
      %sign3A_421 = arith.cmpi sgt, %add3A_399, %sign3A_420 : i32
      %sign3A_422 = arith.extui %sign3A_421 : i1 to i32
      %sign3A_423 = arith.constant 0 : i32
      %sign3A_424 = arith.cmpi slt, %add3A_399, %sign3A_423 : i32
      %sign3A_425 = arith.extui %sign3A_424 : i1 to i32
      %sign3A_426 = arith.subi %sign3A_422, %sign3A_425 : i32
      %sign3A_427 = arith.constant 0 : i32
      %sign3A_428 = arith.cmpi sgt, %jit3A_418, %sign3A_427 : i32
      %sign3A_429 = arith.extui %sign3A_428 : i1 to i32
      %sign3A_430 = arith.constant 0 : i32
      %sign3A_431 = arith.cmpi slt, %jit3A_418, %sign3A_430 : i32
      %sign3A_432 = arith.extui %sign3A_431 : i1 to i32
      %sign3A_433 = arith.subi %sign3A_429, %sign3A_432 : i32
      %ne3A_434 = arith.cmpi ne, %sign3A_426, %sign3A_433 : i32
      %rem3A_435 = arith.remsi %add3A_399, %jit3A_418 : i32
      %ne3A_436 = arith.constant 0 : i32
      %ne3A_437 = arith.cmpi ne, %rem3A_435, %ne3A_436 : i32
      %and3A_438 = arith.andi %ne3A_434, %ne3A_437 : i1
      %sub3A_439 = arith.constant 1 : i32
      %sub3A_440 = arith.subi %div3A_419, %sub3A_439 : i32
      %select_n3A_441 = arith.select %and3A_438, %sub3A_440, %div3A_419 : i32
      %add3A_442 = arith.addi %mul3A_417, %select_n3A_441 : i32
      %jit3A_443 = arith.constant 8 : i32
      %eq3A_444 = arith.constant 0 : i32
      %eq3A_445 = arith.cmpi eq, %jit3A_443, %eq3A_444 : i32
      %jit3A_446 = arith.constant 1 : i32
      %select_n3A_447 = arith.select %eq3A_445, %jit3A_446, %jit3A_443 : i32
      %rem3A_448 = arith.remsi %add3A_399, %select_n3A_447 : i32
      %ne3A_449 = arith.constant 0 : i32
      %ne3A_450 = arith.cmpi ne, %rem3A_448, %ne3A_449 : i32
      %lt3A_451 = arith.constant 0 : i32
      %lt3A_452 = arith.cmpi slt, %rem3A_448, %lt3A_451 : i32
      %lt3A_453 = arith.constant 0 : i32
      %lt3A_454 = arith.cmpi slt, %select_n3A_447, %lt3A_453 : i32
      %ne3A_455 = arith.xori %lt3A_452, %lt3A_454 : i1
      %and3A_456 = arith.andi %ne3A_455, %ne3A_450 : i1
      %add3A_457 = arith.addi %rem3A_448, %select_n3A_447 : i32
      %select_n3A_458 = arith.select %and3A_456, %add3A_457, %rem3A_448 : i32
      %mul3A_459 = arith.constant 256 : i32
      %mul3A_460 = arith.muli %select_n3A_458, %mul3A_459 : i32
      %dma_start3A_461 = arith.constant 256 : i32
      %dma_start3A_462 = arith.constant 0 : i32
      %dma_start3A_463 = tpu.memref_slice %arg9[%dma_start3A_461, %dma_start3A_462] : memref<512x64xf32, #tpu.memory_space<vmem>> -> memref<256x64xf32, #tpu.memory_space<vmem>>
      %dma_start3A_464 = arith.constant 0 : i32
      %dma_start3A_465 = tpu.memref_slice %arg5[%select_n3A, %add3A_442, %mul3A_460, %dma_start3A_464] : memref<8x32x2048x64xf32, #tpu.memory_space<hbm>> -> memref<1x1x256x64xf32, #tpu.memory_space<hbm>>
      %dma_start3A_466 = tpu.memref_squeeze %dma_start3A_465 : memref<1x1x256x64xf32, #tpu.memory_space<hbm>> -> memref<256x64xf32, #tpu.memory_space<hbm>>
      %dma_start3A_467 = arith.constant 0 : i32
      %dma_start3A_468 = tpu.memref_slice %arg5[%select_n3A, %add3A_442, %mul3A_460, %dma_start3A_467] : memref<8x32x2048x64xf32, #tpu.memory_space<hbm>> -> memref<1x1x256x64xf32, #tpu.memory_space<hbm>>
      %dma_start3A_469 = tpu.memref_squeeze %dma_start3A_468 : memref<1x1x256x64xf32, #tpu.memory_space<hbm>> -> memref<256x64xf32, #tpu.memory_space<hbm>>
      %dma_start3A_470 = arith.constant 256 : i32
      %dma_start3A_471 = arith.constant 0 : i32
      %dma_start3A_472 = tpu.memref_slice %arg9[%dma_start3A_470, %dma_start3A_471] : memref<512x64xf32, #tpu.memory_space<vmem>> -> memref<256x64xf32, #tpu.memory_space<vmem>>
      tpu.enqueue_dma source(%dma_start3A_472 : memref<256x64xf32, #tpu.memory_space<vmem>>) target(%dma_start3A_469 : memref<256x64xf32, #tpu.memory_space<hbm>>) target_semaphore(%arg11 : memref<!tpu.dma_semaphore, #tpu.memory_space<semaphore_mem>>)
    }
    %scan3A_143 = arith.constant 31 : i32
    %dma_wait3A_144 = arith.constant 0 : i32
    %dma_wait3A_145 = arith.constant 0 : i32
    %dma_wait3A_146 = arith.constant 0 : i32
    %dma_wait3A_147 = arith.constant 0 : i32
    %dma_wait3A_148 = tpu.memref_slice %arg9[%dma_wait3A_146, %dma_wait3A_147] : memref<512x64xf32, #tpu.memory_space<vmem>> -> memref<256x64xf32, #tpu.memory_space<vmem>>
    %dma_wait3A_149 = arith.constant 0 : i32
    %dma_wait3A_150 = arith.constant 0 : i32
    %dma_wait3A_151 = tpu.memref_slice %arg5[%dma_wait3A_144, %dma_wait3A_145, %dma_wait3A_149, %dma_wait3A_150] : memref<8x32x2048x64xf32, #tpu.memory_space<hbm>> -> memref<1x1x256x64xf32, #tpu.memory_space<hbm>>
    %dma_wait3A_152 = tpu.memref_squeeze %dma_wait3A_151 : memref<1x1x256x64xf32, #tpu.memory_space<hbm>> -> memref<256x64xf32, #tpu.memory_space<hbm>>
    %dma_wait3A_153 = arith.constant 0 : i32
    %dma_wait3A_154 = arith.constant 0 : i32
    %dma_wait3A_155 = tpu.memref_slice %arg5[%dma_wait3A_144, %dma_wait3A_145, %dma_wait3A_153, %dma_wait3A_154] : memref<8x32x2048x64xf32, #tpu.memory_space<hbm>> -> memref<1x1x256x64xf32, #tpu.memory_space<hbm>>
    %dma_wait3A_156 = tpu.memref_squeeze %dma_wait3A_155 : memref<1x1x256x64xf32, #tpu.memory_space<hbm>> -> memref<256x64xf32, #tpu.memory_space<hbm>>
    %dma_wait3A_157 = arith.constant 0 : i32
    %dma_wait3A_158 = arith.constant 0 : i32
    %dma_wait3A_159 = tpu.memref_slice %arg9[%dma_wait3A_157, %dma_wait3A_158] : memref<512x64xf32, #tpu.memory_space<vmem>> -> memref<256x64xf32, #tpu.memory_space<vmem>>
    tpu.wait_dma2 semaphore(%arg10 : memref<!tpu.dma_semaphore, #tpu.memory_space<semaphore_mem>>) src(%dma_wait3A_159 : memref<256x64xf32, #tpu.memory_space<vmem>>) dst(%dma_wait3A_156 : memref<256x64xf32, #tpu.memory_space<hbm>>)
    %dma_wait3A_160 = arith.constant 0 : i32
    %dma_wait3A_161 = arith.constant 0 : i32
    %dma_wait3A_162 = arith.constant 256 : i32
    %dma_wait3A_163 = arith.constant 0 : i32
    %dma_wait3A_164 = tpu.memref_slice %arg9[%dma_wait3A_162, %dma_wait3A_163] : memref<512x64xf32, #tpu.memory_space<vmem>> -> memref<256x64xf32, #tpu.memory_space<vmem>>
    %dma_wait3A_165 = arith.constant 0 : i32
    %dma_wait3A_166 = arith.constant 0 : i32
    %dma_wait3A_167 = tpu.memref_slice %arg5[%dma_wait3A_160, %dma_wait3A_161, %dma_wait3A_165, %dma_wait3A_166] : memref<8x32x2048x64xf32, #tpu.memory_space<hbm>> -> memref<1x1x256x64xf32, #tpu.memory_space<hbm>>
    %dma_wait3A_168 = tpu.memref_squeeze %dma_wait3A_167 : memref<1x1x256x64xf32, #tpu.memory_space<hbm>> -> memref<256x64xf32, #tpu.memory_space<hbm>>
    %dma_wait3A_169 = arith.constant 0 : i32
    %dma_wait3A_170 = arith.constant 0 : i32
    %dma_wait3A_171 = tpu.memref_slice %arg5[%dma_wait3A_160, %dma_wait3A_161, %dma_wait3A_169, %dma_wait3A_170] : memref<8x32x2048x64xf32, #tpu.memory_space<hbm>> -> memref<1x1x256x64xf32, #tpu.memory_space<hbm>>
    %dma_wait3A_172 = tpu.memref_squeeze %dma_wait3A_171 : memref<1x1x256x64xf32, #tpu.memory_space<hbm>> -> memref<256x64xf32, #tpu.memory_space<hbm>>
    %dma_wait3A_173 = arith.constant 256 : i32
    %dma_wait3A_174 = arith.constant 0 : i32
    %dma_wait3A_175 = tpu.memref_slice %arg9[%dma_wait3A_173, %dma_wait3A_174] : memref<512x64xf32, #tpu.memory_space<vmem>> -> memref<256x64xf32, #tpu.memory_space<vmem>>
    tpu.wait_dma2 semaphore(%arg11 : memref<!tpu.dma_semaphore, #tpu.memory_space<semaphore_mem>>) src(%dma_wait3A_175 : memref<256x64xf32, #tpu.memory_space<vmem>>) dst(%dma_wait3A_172 : memref<256x64xf32, #tpu.memory_space<hbm>>)
    return
  }
}

</mosaic_0001>

<sc_bundles>
// kernel: kernel.3.cloned.1.call-start
scs
__scs_entry_jumppad:
0x0: {  	(pc) =	sbr.rel $0x88, $3  }
0x1: {  	(tag) =	ssettag $0x0;
	lr =	simm.s32 $0x1  }
0x2: {  	[smem:$0x3F9E] =	sst lr;
	_ =	strace $0xD0000000  }
0x3: {  	_ = 	snop  }
0x4: {  	_ = 	snop  }
0x5: {  	_ = 	snop  }
0x6: {  	_ = 	snop  }
0x7: {  	_ = 	snop  }
__scs_overlays_trampoline_lowered:
0x8: {  	[smem:$0x3FAD] =	sst s0  }
0x9: {  	[smem:$0x3FAE] =	sst s1  }
0xa: {  	[smem:$0x3FAF] =	sst s2  }
0xb: {  	[smem:$0x3FB0] =	sst s3  }
0xc: {  	[smem:$0x3FB1] =	sst s4  }
0xd: {  	[smem:$0x3FB2] =	sst s5  }
0xe: {  	[smem:$0x3FB3] =	sst s6  }
0xf: {  	[smem:$0x3FB4] =	sst s7  }
0x10: {  	[smem:$0x3FB5] =	sst s8  }
0x11: {  	[smem:$0x3FB6] =	sst s9;
	s0 =	simm.s32 @!p0 $0x0  }
0x12: {  	s1 =	sld [smem:$0x3F9C];
	s0 =	simm.s32 @p0 $0x1  }
0x13: {  	[smem:$0x3FB7] =	sst s0;
	s0 =	simm.s32 @!p1 $0x0  }
0x14: {  	s2 =	sld [smem:$0x3F9B];
	s0 =	simm.s32 @p1 $0x1  }
0x15: {  	[smem:$0x3FB8] =	sst s0;
	s0 =	simm.s32 @!p2 $0x0  }
0x16: {  	s3 =	sld [smem:$0x3FDB];
	s0 =	simm.s32 @p2 $0x1  }
0x17: {  	s4 =	simm.s32 $0x1BF5;
	[smem:$0x3FBA] =	sst s0  }
0x18: {  	s0 =	sld [smem:$0x3F9D];
	_ =	swait.ge [sflag:s4], $0x0  }
0x19: {  	s7 =	sld [smem:$0x3F9E]  }
0x1a: {  	s8 =	sadd.s32 $0xFFFFE003, lr  }
0x1b: {  	s9 =	sadd.s32 $0xFFFFFEF7, lr;
	s5 =	simm.s32 $0xFFFFFFFF;
	p2 =	slt.u32 s8, $0xFFFFF086  }
0x1c: {  	p1 =	slt.u32 s9, $0xF7A;
	s5 =	simm.s32 @!p2 $0x0  }
0x1d: {  	s5 =	simm.s32 @p1 $0x1;
	p0 =	seq.s32 s7, s2  }
0x1e: {  	s7 =	smul.u32 @!p0 $0xF7A, s2;
	p2 =	seq.s32 @!p0 s5, $0x0  }
0x1f: {  	s9 =	smul.u32 $0xF7A, s1;
	s8 =	simm.s32 @!p0 $0x1BF5;
	p2 =	por !p2, p0  }
0x20: {  	[sflag:s8] =	ssyncset.s32 @!p0 $0xFFFFF086;
	s6 =	sadd.s32 @!p0 s3, s7;
	s7 =	simm.s32 @!p0 $0x108  }
0x21: {  	s3 =	sadd.s32 s3, s9;
	s6 =	sadd.s32 @!p0 $0x88, s6;
	s7 =	simm.s32 @p2 $0x1082  }
0x22: {  	[simem:s7], [sflag:s8] =	dma.local @!p0 [hbm:s6], $0xF7A  }
0x23: {  	s9 =	sor.u32 $0xD0000000, s2;
	s6 =	simm.s32 $0x108;
	_ =	swait.ge @!p0 [sflag:s8], $0x0  }
0x24: {  	s3 =	sadd.s32 $0x88, s3;
	s6 =	simm.s32 @!p1 $0x1082;
	[sflag:s4] =	ssyncset.s32 $0xFFFFF086  }
0x25: {  	[simem:s6], [sflag:s4] =	dma.local [hbm:s3], $0xF7A  }
0x26: {  	[smem:$0x3F9E] =	sst s1;
	(tag) =	ssettag s2;
	_ =	strace s9  }
0x27: {  	s1 =	sld [smem:$0x3FAE]  }
0x28: {  	s2 =	sld [smem:$0x3FAF]  }
0x29: {  	s4 =	sld [smem:$0x3FB1]  }
0x2a: {  	p0 =	seq.s32 s5, $0x0;
	s5 =	sld [smem:$0x3FB2]  }
0x2b: {  	s6 =	sld [smem:$0x3FB3]  }
0x2c: {  	s7 =	sld [smem:$0x3FB4]  }
0x2d: {  	s3 =	simm.s32 $0x108;
	s8 =	sld [smem:$0x3FB5]  }
0x2e: {  	s3 =	simm.s32 @!p0 $0x1082;
	s9 =	sld [smem:$0x3FB6]  }
0x2f: {  	lr =	sadd.s32 s0, s3;
	s0 =	sld [smem:$0x3FAD]  }
0x30: {  	s3 =	sld [smem:$0x3FB0]  }
0x31: {  	[smem:$0x3FB9] =	sst s10  }
0x32: {  	s10 =	sld [smem:$0x3FB7];
	_ =	sdelay $0x3  }
0x33: {  	p0 =	seq.s32 s10, $0x1;
	s10 =	sld [smem:$0x3FB9];
	_ =	sdelay $0x3  }
0x34: {  	[smem:$0x3FB9] =	sst s10  }
0x35: {  	s10 =	sld [smem:$0x3FB8];
	_ =	sdelay $0x3  }
0x36: {  	p1 =	seq.s32 s10, $0x1;
	s10 =	sld [smem:$0x3FB9];
	_ =	sdelay $0x3  }
0x37: {  	[smem:$0x3FB9] =	sst s10  }
0x38: {  	s10 =	sld [smem:$0x3FBA]  }
0x39: {  	_ = 	snop;
	(pc) =	sbr.ind lr, $3  }
0x3a: {  	_ = 	snop  }
0x3b: {  	_ = 	snop  }
0x3c: {  	p2 =	seq.s32 s10, $0x1;
	s10 =	sld [smem:$0x3FB9]  }
0x3d: {  	_ =	shalt  }
0x3e: {  	_ =	shalt  }
0x3f: {  	_ =	shalt  }
0x40: {  	_ =	shalt  }
0x41: {  	_ =	shalt  }
0x42: {  	_ =	shalt  }
0x43: {  	_ =	shalt  }
0x44: {  	_ =	shalt  }
0x45: {  	_ =	shalt  }
0x46: {  	_ =	shalt  }
0x47: {  	_ =	shalt  }
0x48: {  	_ =	shalt  }
0x49: {  	_ =	shalt  }
0x4a: {  	_ =	shalt  }
0x4b: {  	_ =	shalt  }
0x4c: {  	_ =	shalt  }
0x4d: {  	_ =	shalt  }
0x4e: {  	_ =	shalt  }
0x4f: {  	_ =	shalt  }
0x50: {  	_ =	shalt  }
0x51: {  	_ =	shalt  }
0x52: {  	_ =	shalt  }
0x53: {  	_ =	shalt  }
0x54: {  	_ =	shalt  }
0x55: {  	_ =	shalt  }
0x56: {  	_ =	shalt  }
0x57: {  	_ =	shalt  }
0x58: {  	_ =	shalt  }
0x59: {  	_ =	shalt  }
0x5a: {  	_ =	shalt  }
0x5b: {  	_ =	shalt  }
0x5c: {  	_ =	shalt  }
0x5d: {  	_ =	shalt  }
0x5e: {  	_ =	shalt  }
0x5f: {  	_ =	shalt  }
0x60: {  	_ =	shalt  }
0x61: {  	_ =	shalt  }
0x62: {  	_ =	shalt  }
0x63: {  	_ =	shalt  }
0x64: {  	_ =	shalt  }
0x65: {  	_ =	shalt  }
0x66: {  	_ =	shalt  }
0x67: {  	_ =	shalt  }
0x68: {  	_ =	shalt  }
0x69: {  	_ =	shalt  }
0x6a: {  	_ =	shalt  }
0x6b: {  	_ =	shalt  }
0x6c: {  	_ =	shalt  }
0x6d: {  	_ =	shalt  }
0x6e: {  	_ =	shalt  }
0x6f: {  	_ =	shalt  }
0x70: {  	_ =	shalt  }
0x71: {  	_ =	shalt  }
0x72: {  	_ =	shalt  }
0x73: {  	_ =	shalt  }
0x74: {  	_ =	shalt  }
0x75: {  	_ =	shalt  }
0x76: {  	_ =	shalt  }
0x77: {  	_ =	shalt  }
0x78: {  	_ =	shalt  }
0x79: {  	_ =	shalt  }
0x7a: {  	_ =	shalt  }
0x7b: {  	_ =	shalt  }
0x7c: {  	_ =	shalt  }
0x7d: {  	_ =	shalt  }
0x7e: {  	_ =	shalt  }
0x7f: {  	_ =	shalt  }
0x80: {  	_ =	shalt  }
0x81: {  	_ =	shalt  }
0x82: {  	_ =	shalt  }
0x83: {  	_ =	shalt  }
0x84: {  	_ =	shalt  }
0x85: {  	_ =	shalt  }
0x86: {  	_ =	shalt  }
0x87: {  	_ =	shalt  }
.Lfunc_end0:
.L_simem_size_0:
called_computation_lowered:
.L_overlay_start_0:
0x88: {  	s2 =	sld [smem:$0x3FD9]  }
0x89: {  	s3 =	sld [smem:$0x3FFE];
	_ =	sdelay $0x1  }
0x8a: {  	s1 =	srdreg.scid  }
0x8b: {  	s0 =	sand.u32 $0x1, s1  }
0x8c: {  	s17 =	sshll.u32 s0, $0xA;
	s2 =	sadd.s32 s3, s2  }
0x8d: {  	s2 =	sadd.s32 s2, s17  }
0x8e: {  	[smem:$0x3FC5] =	sst s2  }
0x8f: {  	_ = 	snop  }
0x90: {  	s2 =	sld [smem:$0x3FC8]  }
0x91: {  	s18 =	sld [smem:$0x3FD0];
	(tm) =	ssettm $0x1  }
0x92: {  	s4 =	sld [smem:$0x3FFB];
	_ =	sdelay $0x3  }
0x93: {  	_ =	strace s4  }
0x94: {  	s4 =	sld [smem:$0x3FFC];
	_ =	sdelay $0x3  }
0x95: {  	_ =	strace s4  }
0x96: {  	s4 =	sld [smem:$0x3FFD];
	_ =	sdelay $0x3  }
0x97: {  	_ =	strace s4  }
0x98: {  	_ =	strace $0x8FFFFFFF  }
0x99: {  	s19 =	sld [smem:$0x3FDB];
	_ =	sdelay $0x1  }
0x9a: {  	s5 =	simm.s32 $_scs_section_size  }
0x9b: {  	s6 =	simm.s32 $_size__tile_overlayer_lowered;
	s7 =	simm.s32 $_tile_overlayer_lowered  }
0x9c: {  	s22 =	simm.s32 $0x1BFF;
	s21 =	sshll.u32 s7, $0x1;
	s4 =	sadd.s32 s5, s19  }
0x9d: {  	s8 =	simm.s32 $0x0;
	s20 =	sshll.u32 s6, $0x1;
	s6 =	sadd.s32 s21, s4  }
0x9e: {  	[timem:s8], [sflag:s22] =	dma.local [hbm:s6], s20  }
0x9f: {  	_ =	swait.ge [sflag:s22], s20  }
0xa0: {  	s5 =	ssub.s32 $0x0, s20;
	[sflag:s22] =	ssyncset.done $0x0  }
0xa1: {  	[sflag:s22] =	ssyncadd.s32 s5;
	_ =	sdelay $0x1  }
0xa2: {  	s23 =	simm.s32 $0x1B8B  }
0xa3: {  	_ =	swait.ge [sflag:s23], $0x1  }
0xa4: {  	[sflag:s23] =	ssyncset.done $0x0  }
0xa5: {  	s25 =	simm.s32 $0x1B8E;
	s24 =	sld [smem:$0x3FFE];
	[sflag:s23] =	ssyncadd.s32 $0xFFFFFFFF  }
0xa6: {  	s26 =	simm.s32 $execute0_lowered;
	[smem:$0x3FD2] =	sst s25  }
0xa7: {  	s6 =	sshll.u32 s26, $0x1;
	_ =	strace $0x80000046;
	[dreg:$0x1] =	wrdreg $0xFFFFFFFF  }
0xa8: {  	s28 =	simm.s32 $_size_execute0_lowered;
	s4 =	sadd.s32 s4, s6;
	[dreg:$0x0] =	wrdreg $0x0  }
0xa9: {  	s6 =	sshll.u32 s28, $0x1;
	[dreg:$0x2] =	wrdreg s4  }
0xaa: {  	[dreg:$0x3] =	wrdreg s6  }
0xab: {  	[dreg:$0x4] =	wrdreg $0xC0  }
0xac: {  	_ =	task [dreg:s8], $0x5FFFF  }
0xad: {  	[dreg:$0x1] =	wrdreg $0xFFFFFFFF  }
0xae: {  	[dreg:$0x0] =	wrdreg $0x60  }
0xaf: {  	[dreg:$0x2] =	wrdreg s24  }
0xb0: {  	[dreg:$0x3] =	wrdreg s2  }
0xb1: {  	[dreg:$0x4] =	wrdreg s18  }
0xb2: {  	[dreg:$0x5] =	wrdreg $0x9  }
0xb3: {  	_ =	task.clear_ibuf [dreg:s8], $0x6FFFF;
	_ =	strace $0x90000046  }
0xb4: {  	s29 =	simm.s32 $0x9;
	_ =	strace $0x80000048  }
0xb5: {  	_ =	swait.ge [sflag:s29], $0x1  }
0xb6: {  	[sflag:s29] =	ssyncadd.s32 $0xFFFFFFFF  }
0xb7: {  	_ =	strace $0x90000048  }
0xb8: {  	_ =	sfence  }
0xb9: {  	s30 =	sld [smem:$0x0];
	_ =	sdelay $0x2  }
0xba: {  	s31 =	sshll.u32 s1, $0xD;
	s1 =	sshrl.u32 s1, $0x2  }
0xbb: {  	s3 =	sand.u32 $0x4000, s31;
	s1 =	sadd.s32 s1, s30  }
0xbc: {  	s0 =	sor.u32 s3, s0;
	s1 =	sshll.u32 s1, $0x11  }
0xbd: {  	s0 =	sor.u32 s1, s0  }
0xbe: {  	s0 =	sadd.s32 $0x8F2B, s0  }
0xbf: {  	[sflag:s0] =	ssyncadd.remote.s32 $0x1  }
0xc0: {  	_ =	sfence.sel $0xFFFF  }
0xc1: {  	[dreg:$0x0] =	wrdreg $0xFFFFFFFF;
	(pc) =	sbr.abs _section_cstart, $3  }
0xc2: {  	[dreg:$0x1] =	wrdreg $0xFFFFFFFF  }
0xc3: {  	_ =	task.clear_ibuf [dreg:s8], $0x2FFFF;
	_ =	strace $0x9FFFFFFF  }
0xc4: {  	(tm) =	ssettm $0x7FFFFFFF  }
0xc5: {  	_ =	shalt  }
tec
execute0_lowered:
.L_overlay_start_1:
0x0: {  	(tag) =	ssettag $0x1  }
0x1: {  	s7 =	rddreg [dreg:$0x0]  }
0x2: {  	s8 =	rddreg [dreg:$0x1]  }
0x3: {  	s2 =	rddreg [dreg:$0x2]  }
0x4: {  	s0 =	rddreg [dreg:$0x3];
	s3 =	simm.s32 $0x0;
	s4 =	srdreg.scid  }
0x5: {  	s1 =	stileid.u32;
	s14 =	simm.s32 $0x400;
	s15 =	simm.s32 $0x8400  }
0x6: {  	s16 =	simm.s32 $0x8C00;
	s17 =	simm.s32 $0x1;
	s18 =	simm.s32 $0x8D80  }
0x7: {  	s19 =	simm.s32 $0x10D80;
	s20 =	simm.s32 $0x2;
	s21 =	simm.s32 $0x0  }
0x8: {  	[smem:$0x7FF] =	sst s3;
	s5 =	sand.u32 $0x1, s4;
	s29 =	sshll.u32 s1, $0x1  }
0x9: {  	v0 =	vimm.s32 $0x0;
	v1 =	vlaneseq.u32;
	s4 =	sadd.s32 $0x400, s7;
	s10 =	sshrl.u32 s1, $0x1;
	s9 =	sor.u32 s5, s29  }
0xa: {  	v2 =	vimm.s32 $0x7;
	v6 =	vimm.s32 $0x1;
	v7 =	vimm.s32 $0x2;
	s7 =	sadd.s32 $0x600, s7;
	_ =	strace $0x80000047;
	s6 =	sshll.u32 s9, $0x15  }
0xb: {  	v8 =	vimm.s32 $0x3;
	v9 =	vimm.s32 $0x4;
	v10 =	vimm.s32 $0x5;
	s11 =	ssub.s32 $0x2, s5;
	s5 =	sshll.u32 s10, $0x17;
	s6 =	sand.u32 $0x600000, s6  }
0xc: {  	v11 =	vimm.s32 $0x6;
	v12 =	vimm.s32 $0x8;
	v13 =	vimm.s32 $0x9;
	s10 =	sshll.u32 s10, $0x4;
	s12 =	sshrl.u32 s11, $0x1;
	s13 =	sor.u32 s5, s6  }
0xd: {  	v14 =	vimm.s32 $0xA;
	v15 =	vimm.s32 $0xB;
	v16 =	vimm.s32 $0xC;
	s8 =	sadd.s32 s8, s10;
	s31 =	sshll.u32 s9, $0x3;
	s30 =	sshrl.u32 s13, $0x3  }
0xe: {  	v17 =	vimm.s32 $0xD;
	v18 =	vimm.s32 $0xE;
	v19 =	vimm.s32 $0xF;
	s12 =	ssub.s32 s11, s12;
	s10 =	sor.u32 $0x8C00, s31;
	s9 =	sadd.s32 s7, s30  }
0xf: {  	v3 =	vor.u32 $0x10, v1;
	v4 =	vor.u32 $0x20, v1;
	v5 =	vor.u32 $0x30, v1;
	s12 =	smax.u32 s12, $0x1;
	s13 =	simm.s32 $0x80;
	s11 =	sadd.s32 $0x1000, s9  }
.LBB2_1:
0x10: {  	[tilespmem:s3], [sflag:$0x1] =	stream.linear.gather [hbm4b:s2+s3], $0x8080, $0x38;
	[tilespmem:$0x18D80] =	vst v63  }
0x11: {  	_ = 	snop  }
0x12: {  	[tilespmem:s15], [sflag:$0x1] =	stream.strided.gather [hbm4b:s8+s13], $0x800, s14, s13, $0x38;
	[tilespmem:$0x18D80] =	vst v63  }
0x13: {  	_ = 	snop  }
0x14: {  	[tilespmem:s16], [sflag:$0x1] =	stream.linear.gather [hbm4b:s4+s3], $0x100, $0x38;
	[tilespmem:$0x18D80] =	vst v63  }
0x15: {  	_ =	swait.ge [sflag:s17], $0x8080  }
0x16: {  	[sflag:s17] =	ssyncset.done $0x0  }
0x17: {  	[sflag:s17] =	ssyncadd.s32 $0xFFFF7F80  }
0x18: {  	_ =	swait.ge [sflag:s17], $0x800  }
0x19: {  	[sflag:s17] =	ssyncset.done $0x0  }
0x1a: {  	[sflag:s17] =	ssyncadd.s32 $0xFFFFF800  }
0x1b: {  	_ =	swait.ge [sflag:s17], $0x100  }
0x1c: {  	[sflag:s17] =	ssyncset.done $0x0  }
0x1d: {  	[sflag:s17] =	ssyncadd.s32 $0xFFFFFF00  }
0x1e: {  	s22 =	simm.s32 $0x9180;
	s23 =	simm.s32 $0x0;
	v20 =	vld.msk [tilespmem:s10+$0x0 ss:$0x0], $0xffff  }
.LBB2_2:
0x1f: {  	s24 =	sshra.s32 s23, $0x2  }
0x20: {  	v21 =	vld [tilespmem:s24+$0x8400];
	_ =	sdelay $0x4  }
0x21: {  	v21 =	vsub.s32 v21, v20  }
0x22: {  	vm0 =	vgt.s32 v21, $0xFFFFFF80  }
0x23: {  	v21 =	vnsel vm0, $0xFFFFFF80, v21  }
0x24: {  	vm0 =	vlt.s32 v21, $0x80  }
0x25: {  	v21 =	vnsel vm0, $0x80, v21  }
0x26: {  	v21 =	vadd.s32 $0x80, v21  }
0x27: {  	v22 =	vperm.xlane v21, v0  }
0x28: {  	v23 =	vperm.xlane v21, v6  }
0x29: {  	v22 =	vshll.u32 v22, $0x7  }
0x2a: {  	v26 =	vperm.xlane v21, v8;
	v23 =	vshll.u32 v23, $0x7;
	v25 =	vor.u32 v1, v22  }
0x2b: {  	v24 =	vperm.xlane v21, v7;
	v27 =	vor.u32 v1, v23  }
0x2c: {  	v26 =	vshll.u32 v26, $0x7  }
0x2d: {  	v24 =	vshll.u32 v24, $0x7;
	v29 =	vor.u32 v1, v26  }
0x2e: {  	v28 =	vor.u32 v1, v24  }
0x2f: {  	v25 =	vld.idx.msk [tilespmem:v25+s3+$0x0], $0xffff  }
0x30: {  	v30 =	vor.u32 v3, v22;
	v27 =	vld.idx.msk [tilespmem:v27+s3+$0x0], $0xffff  }
0x31: {  	v31 =	vor.u32 v3, v23  }
0x32: {  	v29 =	vld.idx.msk [tilespmem:v29+s3+$0x0], $0xffff  }
0x33: {  	v33 =	vor.u32 v3, v26;
	v28 =	vld.idx.msk [tilespmem:v28+s3+$0x0], $0xffff  }
0x34: {  	v32 =	vor.u32 v3, v24;
	[tilespmem:s22+$0xFFFFFC00] =	vst v25  }
0x35: {  	v34 =	vperm.xlane v21, v12;
	[tilespmem:s22+$0xFFFFFC80] =	vst v27;
	v25 =	vld.idx.msk [tilespmem:v30+s3+$0x0], $0xffff  }
0x36: {  	v36 =	vperm.xlane v21, v9;
	v55 =	vor.u32 v4, v22;
	v56 =	vld.idx.msk [tilespmem:v31+s3+$0x0], $0xffff  }
0x37: {  	v34 =	vshll.u32 v34, $0x7;
	v57 =	vor.u32 v4, v23;
	[tilespmem:s22+$0xFFFFFD80] =	vst v29  }
0x38: {  	v38 =	vperm.xlane v21, v10;
	[tilespmem:s22+$0xFFFFFD00] =	vst v28;
	v29 =	vshll.u32 v36, $0x7;
	v36 =	vor.u32 v1, v34;
	v60 =	vld.idx.msk [tilespmem:v33+s3+$0x0], $0xffff  }
0x39: {  	v61 =	vor.u32 v4, v26;
	v58 =	vld.idx.msk [tilespmem:v32+s3+$0x0], $0xffff  }
0x3a: {  	v59 =	vor.u32 v4, v24;
	v31 =	vshll.u32 v38, $0x7;
	[tilespmem:s22+$0xFFFFFC10] =	vst v25  }
0x3b: {  	v39 =	vperm.xlane v21, v11;
	v42 =	vor.u32 v1, v31;
	[tilespmem:s22+$0xFFFFFC90] =	vst v56;
	v25 =	vld.idx.msk [tilespmem:v55+s3+$0x0], $0xffff  }
0x3c: {  	v22 =	vor.u32 v5, v22;
	v62 =	vld.idx.msk [tilespmem:v57+s3+$0x0], $0xffff  }
0x3d: {  	v23 =	vor.u32 v5, v23;
	v32 =	vshll.u32 v39, $0x7;
	v36 =	vld.idx.msk [tilespmem:v36+s3+$0x0], $0xffff;
	[tilespmem:s22+$0xFFFFFD90] =	vst v60  }
0x3e: {  	v41 =	vperm.xlane v21, v2;
	v43 =	vor.u32 v1, v32;
	[tilespmem:s22+$0xFFFFFD10] =	vst v58;
	v37 =	vld.idx.msk [tilespmem:v61+s3+$0x0], $0xffff  }
0x3f: {  	v40 =	vor.u32 v1, v29;
	v63 =	vld.idx.msk [tilespmem:v59+s3+$0x0], $0xffff  }
0x40: {  	v35 =	vperm.xlane v21, v13;
	v24 =	vor.u32 v5, v24;
	v33 =	vshll.u32 v41, $0x7;
	v27 =	vld.idx.msk [tilespmem:v42+s3+$0x0], $0xffff;
	[tilespmem:s22+$0xFFFFFC20] =	vst v25  }
0x41: {  	v44 =	vor.u32 v1, v33;
	[tilespmem:s22+$0xFFFFFCA0] =	vst v62;
	v22 =	vld.idx.msk [tilespmem:v22+s3+$0x0], $0xffff  }
0x42: {  	v35 =	vshll.u32 v35, $0x7;
	v26 =	vor.u32 v5, v26;
	v23 =	vld.idx.msk [tilespmem:v23+s3+$0x0], $0xffff  }
0x43: {  	v47 =	vor.u32 v3, v34;
	v28 =	vld.idx.msk [tilespmem:v43+s3+$0x0], $0xffff;
	[tilespmem:s22+$0xFFFFFDA0] =	vst v37;
	v37 =	vor.u32 v1, v35  }
0x44: {  	v39 =	vperm.xlane v21, v16;
	v41 =	vperm.xlane v21, v17;
	[tilespmem:s22+$0xFFFFFD20] =	vst v63;
	v25 =	vld.idx.msk [tilespmem:v40+s3+$0x0], $0xffff  }
0x45: {  	v45 =	vor.u32 v3, v32;
	v46 =	vor.u32 v3, v33;
	[tilespmem:s22+$0x0] =	vst v36;
	v24 =	vld.idx.msk [tilespmem:v24+s3+$0x0], $0xffff  }
0x46: {  	v52 =	vor.u32 v4, v33;
	v30 =	vld.idx.msk [tilespmem:v44+s3+$0x0], $0xffff;
	[tilespmem:s22+$0xFFFFFC30] =	vst v22;
	v22 =	vor.u32 v3, v29  }
0x47: {  	v62 =	vperm.xlane v21, v15;
	v26 =	vld.idx.msk [tilespmem:v26+s3+$0x0], $0xffff;
	[tilespmem:s22+$0xFFFFFCB0] =	vst v23;
	v23 =	vor.u32 v3, v31  }
0x48: {  	v60 =	vperm.xlane v21, v14;
	v59 =	vor.u32 v5, v33;
	[tilespmem:s22+$0xFFFFFF00] =	vst v28;
	v37 =	vld.idx.msk [tilespmem:v37+s3+$0x0], $0xffff  }
0x49: {  	v43 =	vperm.xlane v21, v18;
	v21 =	vperm.xlane v21, v19;
	v33 =	vshll.u32 v62, $0x7;
	[tilespmem:s22+$0xFFFFFE00] =	vst v25;
	v25 =	vld.idx.msk [tilespmem:v47+s3+$0x0], $0xffff  }
0x4a: {  	v42 =	vor.u32 v1, v33;
	[tilespmem:s22+$0xFFFFFD30] =	vst v24;
	v24 =	vld.idx.msk [tilespmem:v45+s3+$0x0], $0xffff  }
0x4b: {  	v48 =	vor.u32 v3, v35;
	[tilespmem:s22+$0xFFFFFE80] =	vst v27;
	v21 =	vshll.u32 v21, $0x7;
	v22 =	vld.idx.msk [tilespmem:v22+s3+$0x0], $0xffff  }
0x4c: {  	[tilespmem:s22+$0xFFFFFF80] =	vst v30;
	v47 =	vor.u32 v1, v21;
	v23 =	vld.idx.msk [tilespmem:v23+s3+$0x0], $0xffff  }
0x4d: {  	v51 =	vor.u32 v4, v32;
	[tilespmem:s22+$0xFFFFFDB0] =	vst v26;
	v26 =	vld.idx.msk [tilespmem:v46+s3+$0x0], $0xffff  }
0x4e: {  	[tilespmem:s22+$0x80] =	vst v37  }
0x4f: {  	v49 =	vor.u32 v4, v29;
	v57 =	vor.u32 v5, v32;
	v32 =	vld.idx.msk [tilespmem:v42+s3+$0x0], $0xffff;
	[tilespmem:s22+$0xFFFFFF10] =	vst v24  }
0x50: {  	v50 =	vor.u32 v4, v31;
	v27 =	vld.idx.msk [tilespmem:v48+s3+$0x0], $0xffff;
	[tilespmem:s22+$0xFFFFFE10] =	vst v22;
	v22 =	vor.u32 v4, v34  }
0x51: {  	v55 =	vor.u32 v5, v31;
	v31 =	vld.idx.msk [tilespmem:v47+s3+$0x0], $0xffff;
	[tilespmem:s22+$0xFFFFFE90] =	vst v23;
	v23 =	vor.u32 v4, v35  }
0x52: {  	v36 =	vshll.u32 v43, $0x7;
	[tilespmem:s22+$0xFFFFFF90] =	vst v26;
	v56 =	vld.idx.msk [tilespmem:v51+s3+$0x0], $0xffff  }
0x53: {  	v45 =	vor.u32 v1, v36;
	[tilespmem:s22+$0x10] =	vst v25;
	v58 =	vld.idx.msk [tilespmem:v52+s3+$0x0], $0xffff  }
0x54: {  	[tilespmem:s22+$0x180] =	vst v32;
	v28 =	vld.idx.msk [tilespmem:v49+s3+$0x0], $0xffff  }
0x55: {  	[tilespmem:s22+$0x90] =	vst v27;
	v27 =	vshll.u32 v60, $0x7;
	v22 =	vld.idx.msk [tilespmem:v22+s3+$0x0], $0xffff  }
0x56: {  	[tilespmem:s22+$0x380] =	vst v31;
	v40 =	vor.u32 v1, v27;
	v23 =	vld.idx.msk [tilespmem:v23+s3+$0x0], $0xffff  }
0x57: {  	v53 =	vor.u32 v5, v29;
	v54 =	vld.idx.msk [tilespmem:v50+s3+$0x0], $0xffff;
	[tilespmem:s22+$0xFFFFFF20] =	vst v56  }
0x58: {  	v29 =	vld.idx.msk [tilespmem:v45+s3+$0x0], $0xffff;
	[tilespmem:s22+$0xFFFFFFA0] =	vst v58  }
0x59: {  	v61 =	vor.u32 v5, v34;
	v34 =	vshll.u32 v39, $0x7;
	v26 =	vld.idx.msk [tilespmem:v57+s3+$0x0], $0xffff;
	[tilespmem:s22+$0xFFFFFE20] =	vst v28  }
0x5a: {  	v63 =	vor.u32 v5, v35;
	v35 =	vshll.u32 v41, $0x7;
	v25 =	vld.idx.msk [tilespmem:v59+s3+$0x0], $0xffff;
	[tilespmem:s22+$0x20] =	vst v22;
	v22 =	vor.u32 v1, v34  }
0x5b: {  	v46 =	vld.idx.msk [tilespmem:v40+s3+$0x0], $0xffff;
	[tilespmem:s22+$0xA0] =	vst v23;
	v23 =	vor.u32 v1, v35  }
0x5c: {  	v49 =	vor.u32 v3, v33;
	[tilespmem:s22+$0xFFFFFEA0] =	vst v54;
	v24 =	vld.idx.msk [tilespmem:v53+s3+$0x0], $0xffff  }
0x5d: {  	[tilespmem:s22+$0x300] =	vst v29;
	v30 =	vld.idx.msk [tilespmem:v55+s3+$0x0], $0xffff;
	v53 =	vor.u32 v3, v21  }
0x5e: {  	v48 =	vor.u32 v3, v27;
	[tilespmem:s22+$0xFFFFFF30] =	vst v26;
	v28 =	vld.idx.msk [tilespmem:v61+s3+$0x0], $0xffff  }
0x5f: {  	[tilespmem:s22+$0xFFFFFFB0] =	vst v25;
	v22 =	vld.idx.msk [tilespmem:v22+s3+$0x0], $0xffff  }
0x60: {  	v50 =	vor.u32 v3, v34;
	[tilespmem:s22+$0x100] =	vst v46;
	v23 =	vld.idx.msk [tilespmem:v23+s3+$0x0], $0xffff  }
0x61: {  	v51 =	vor.u32 v3, v35;
	v25 =	vld.idx.msk [tilespmem:v49+s3+$0x0], $0xffff;
	[tilespmem:s22+$0xFFFFFE30] =	vst v24  }
0x62: {  	v52 =	vor.u32 v3, v36;
	[tilespmem:s22+$0xFFFFFEB0] =	vst v30;
	v32 =	vld.idx.msk [tilespmem:v53+s3+$0x0], $0xffff  }
0x63: {  	v57 =	vor.u32 v4, v21;
	v26 =	vld.idx.msk [tilespmem:v48+s3+$0x0], $0xffff;
	[tilespmem:s22+$0x30] =	vst v28  }
0x64: {  	v44 =	vld.idx.msk [tilespmem:v63+s3+$0x0], $0xffff;
	[tilespmem:s22+$0x200] =	vst v22;
	v22 =	vor.u32 v4, v27  }
0x65: {  	[tilespmem:s22+$0x280] =	vst v23;
	v23 =	vor.u32 v4, v33;
	v28 =	vld.idx.msk [tilespmem:v50+s3+$0x0], $0xffff  }
0x66: {  	v54 =	vor.u32 v4, v34;
	[tilespmem:s22+$0x190] =	vst v25;
	v24 =	vld.idx.msk [tilespmem:v51+s3+$0x0], $0xffff  }
0x67: {  	v55 =	vor.u32 v4, v35;
	v30 =	vld.idx.msk [tilespmem:v52+s3+$0x0], $0xffff;
	[tilespmem:s22+$0x390] =	vst v32  }
0x68: {  	v56 =	vor.u32 v4, v36;
	[tilespmem:s22+$0x110] =	vst v26;
	v25 =	vld.idx.msk [tilespmem:v57+s3+$0x0], $0xffff  }
0x69: {  	v21 =	vor.u32 v5, v21;
	[tilespmem:s22+$0xB0] =	vst v44;
	v22 =	vld.idx.msk [tilespmem:v22+s3+$0x0], $0xffff  }
0x6a: {  	v27 =	vor.u32 v5, v27;
	v23 =	vld.idx.msk [tilespmem:v23+s3+$0x0], $0xffff;
	[tilespmem:s22+$0x210] =	vst v28  }
0x6b: {  	v58 =	vor.u32 v5, v33;
	[tilespmem:s22+$0x290] =	vst v24;
	v28 =	vld.idx.msk [tilespmem:v54+s3+$0x0], $0xffff  }
0x6c: {  	v59 =	vor.u32 v5, v34;
	[tilespmem:s22+$0x310] =	vst v30;
	v60 =	vld.idx.msk [tilespmem:v55+s3+$0x0], $0xffff  }
0x6d: {  	v61 =	vor.u32 v5, v35;
	v26 =	vld.idx.msk [tilespmem:v56+s3+$0x0], $0xffff;
	[tilespmem:s22+$0x3A0] =	vst v25  }
0x6e: {  	v21 =	vld.idx.msk [tilespmem:v21+s3+$0x0], $0xffff;
	[tilespmem:s22+$0x120] =	vst v22;
	v22 =	vor.u32 v5, v36  }
0x6f: {  	[tilespmem:s22+$0x1A0] =	vst v23;
	v23 =	vld.idx.msk [tilespmem:v27+s3+$0x0], $0xffff  }
0x70: {  	v24 =	vld.idx.msk [tilespmem:v58+s3+$0x0], $0xffff;
	[tilespmem:s22+$0x220] =	vst v28  }
0x71: {  	[tilespmem:s22+$0x2A0] =	vst v60;
	v62 =	vld.idx.msk [tilespmem:v59+s3+$0x0], $0xffff  }
0x72: {  	[tilespmem:s22+$0x320] =	vst v26;
	v63 =	vld.idx.msk [tilespmem:v61+s3+$0x0], $0xffff  }
0x73: {  	p0 =	sne.s32 s23, $0x3C0;
	[tilespmem:s22+$0x3B0] =	vst v21;
	v22 =	vld.idx.msk [tilespmem:v22+s3+$0x0], $0xffff  }
.Ltmp0:
0x74: {  	[tilespmem:s22+$0x130] =	vst v23;
	(pc) =	sbr.rel @p0 .LBB2_2-.Ltmp0, $4  }
0x75: {  	[tilespmem:s22+$0x1B0] =	vst v24  }
0x76: {  	[tilespmem:s22+$0x230] =	vst v62  }
0x77: {  	[tilespmem:s22+$0x2B0] =	vst v63  }
0x78: {  	s23 =	sadd.s32 $0x40, s23;
	[tilespmem:s22+$0x330] =	vst v22;
	s22 =	sadd.s32 $0x800, s22  }
0x79: {  	s22 =	simm.s32 $0x0  }
0x7a: {  	[hbm4b:s9+s22] =	stream.linear.scatter [tilespmem:s18], [sflag:$0x1], $0x8000, $0x38;
	[tilespmem:$0x18D80] =	vst v63  }
0x7b: {  	s23 =	simm.s32 $0x100;
	v20 =	vld.msk [tilespmem:s10+$0x0 ss:$0x0], $0xffff  }
.LBB2_4:
0x7c: {  	s24 =	sadd.s32 $0xFFFFFF00, s23  }
0x7d: {  	s25 =	sand.u32 $0x180, s23;
	s24 =	sand.u32 $0x70, s24  }
0x7e: {  	s24 =	sor.u32 s24, s25  }
0x7f: {  	v21 =	vld [tilespmem:s24+$0x8400];
	_ =	sdelay $0x4  }
0x80: {  	v21 =	vsub.s32 v21, v20  }
0x81: {  	vm0 =	vgt.s32 v21, $0xFFFFFF80  }
0x82: {  	v21 =	vnsel vm0, $0xFFFFFF80, v21  }
0x83: {  	vm0 =	vlt.s32 v21, $0x80  }
0x84: {  	v21 =	vnsel vm0, $0x80, v21  }
0x85: {  	v21 =	vadd.s32 $0x80, v21  }
0x86: {  	v22 =	vperm.xlane v21, v0  }
0x87: {  	v23 =	vperm.xlane v21, v6  }
0x88: {  	v22 =	vshll.u32 v22, $0x7  }
0x89: {  	v26 =	vperm.xlane v21, v8;
	v23 =	vshll.u32 v23, $0x7;
	v25 =	vor.u32 v1, v22  }
0x8a: {  	v24 =	vperm.xlane v21, v7;
	v27 =	vor.u32 v1, v23  }
0x8b: {  	v26 =	vshll.u32 v26, $0x7  }
0x8c: {  	v24 =	vshll.u32 v24, $0x7;
	v29 =	vor.u32 v1, v26  }
0x8d: {  	v28 =	vor.u32 v1, v24  }
0x8e: {  	v25 =	vld.idx.msk [tilespmem:v25+s3+$0x0], $0xffff  }
0x8f: {  	v30 =	vor.u32 v3, v22;
	v27 =	vld.idx.msk [tilespmem:v27+s3+$0x0], $0xffff  }
0x90: {  	v31 =	vor.u32 v3, v23  }
0x91: {  	v29 =	vld.idx.msk [tilespmem:v29+s3+$0x0], $0xffff  }
0x92: {  	s31 =	sshra.s32 s22, $0x2;
	v33 =	vor.u32 v3, v26;
	v28 =	vld.idx.msk [tilespmem:v28+s3+$0x0], $0xffff  }
0x93: {  	v32 =	vor.u32 v3, v24;
	[tilespmem:s31+$0x10D80] =	vst v25  }
0x94: {  	v34 =	vperm.xlane v21, v12;
	[tilespmem:s31+$0x10E00] =	vst v27;
	v25 =	vld.idx.msk [tilespmem:v30+s3+$0x0], $0xffff  }
0x95: {  	v36 =	vperm.xlane v21, v9;
	v55 =	vor.u32 v4, v22;
	v56 =	vld.idx.msk [tilespmem:v31+s3+$0x0], $0xffff  }
0x96: {  	v34 =	vshll.u32 v34, $0x7;
	v57 =	vor.u32 v4, v23;
	[tilespmem:s31+$0x10F00] =	vst v29  }
0x97: {  	v38 =	vperm.xlane v21, v10;
	[tilespmem:s31+$0x10E80] =	vst v28;
	v29 =	vshll.u32 v36, $0x7;
	v36 =	vor.u32 v1, v34;
	v60 =	vld.idx.msk [tilespmem:v33+s3+$0x0], $0xffff  }
0x98: {  	v61 =	vor.u32 v4, v26;
	v58 =	vld.idx.msk [tilespmem:v32+s3+$0x0], $0xffff  }
0x99: {  	v59 =	vor.u32 v4, v24;
	v31 =	vshll.u32 v38, $0x7;
	[tilespmem:s31+$0x10D90] =	vst v25  }
0x9a: {  	v39 =	vperm.xlane v21, v11;
	v42 =	vor.u32 v1, v31;
	[tilespmem:s31+$0x10E10] =	vst v56;
	v25 =	vld.idx.msk [tilespmem:v55+s3+$0x0], $0xffff  }
0x9b: {  	v22 =	vor.u32 v5, v22;
	v62 =	vld.idx.msk [tilespmem:v57+s3+$0x0], $0xffff  }
0x9c: {  	v23 =	vor.u32 v5, v23;
	v32 =	vshll.u32 v39, $0x7;
	v36 =	vld.idx.msk [tilespmem:v36+s3+$0x0], $0xffff;
	[tilespmem:s31+$0x10F10] =	vst v60  }
0x9d: {  	v41 =	vperm.xlane v21, v2;
	v43 =	vor.u32 v1, v32;
	[tilespmem:s31+$0x10E90] =	vst v58;
	v37 =	vld.idx.msk [tilespmem:v61+s3+$0x0], $0xffff  }
0x9e: {  	v40 =	vor.u32 v1, v29;
	v63 =	vld.idx.msk [tilespmem:v59+s3+$0x0], $0xffff  }
0x9f: {  	v35 =	vperm.xlane v21, v13;
	v24 =	vor.u32 v5, v24;
	v33 =	vshll.u32 v41, $0x7;
	v27 =	vld.idx.msk [tilespmem:v42+s3+$0x0], $0xffff;
	[tilespmem:s31+$0x10DA0] =	vst v25  }
0xa0: {  	v44 =	vor.u32 v1, v33;
	[tilespmem:s31+$0x10E20] =	vst v62;
	v22 =	vld.idx.msk [tilespmem:v22+s3+$0x0], $0xffff  }
0xa1: {  	v35 =	vshll.u32 v35, $0x7;
	v26 =	vor.u32 v5, v26;
	v23 =	vld.idx.msk [tilespmem:v23+s3+$0x0], $0xffff  }
0xa2: {  	v47 =	vor.u32 v3, v34;
	v28 =	vld.idx.msk [tilespmem:v43+s3+$0x0], $0xffff;
	[tilespmem:s31+$0x10F20] =	vst v37;
	v37 =	vor.u32 v1, v35  }
0xa3: {  	v39 =	vperm.xlane v21, v16;
	v41 =	vperm.xlane v21, v17;
	[tilespmem:s31+$0x10EA0] =	vst v63;
	v25 =	vld.idx.msk [tilespmem:v40+s3+$0x0], $0xffff  }
0xa4: {  	v45 =	vor.u32 v3, v32;
	v46 =	vor.u32 v3, v33;
	[tilespmem:s31+$0x11180] =	vst v36;
	v24 =	vld.idx.msk [tilespmem:v24+s3+$0x0], $0xffff  }
0xa5: {  	v52 =	vor.u32 v4, v33;
	v30 =	vld.idx.msk [tilespmem:v44+s3+$0x0], $0xffff;
	[tilespmem:s31+$0x10DB0] =	vst v22;
	v22 =	vor.u32 v3, v29  }
0xa6: {  	v62 =	vperm.xlane v21, v15;
	v26 =	vld.idx.msk [tilespmem:v26+s3+$0x0], $0xffff;
	[tilespmem:s31+$0x10E30] =	vst v23;
	v23 =	vor.u32 v3, v31  }
0xa7: {  	v60 =	vperm.xlane v21, v14;
	v59 =	vor.u32 v5, v33;
	[tilespmem:s31+$0x11080] =	vst v28;
	v37 =	vld.idx.msk [tilespmem:v37+s3+$0x0], $0xffff  }
0xa8: {  	v43 =	vperm.xlane v21, v18;
	v21 =	vperm.xlane v21, v19;
	v33 =	vshll.u32 v62, $0x7;
	[tilespmem:s31+$0x10F80] =	vst v25;
	v25 =	vld.idx.msk [tilespmem:v47+s3+$0x0], $0xffff  }
0xa9: {  	v42 =	vor.u32 v1, v33;
	[tilespmem:s31+$0x10EB0] =	vst v24;
	v24 =	vld.idx.msk [tilespmem:v45+s3+$0x0], $0xffff  }
0xaa: {  	v48 =	vor.u32 v3, v35;
	[tilespmem:s31+$0x11000] =	vst v27;
	v21 =	vshll.u32 v21, $0x7;
	v22 =	vld.idx.msk [tilespmem:v22+s3+$0x0], $0xffff  }
0xab: {  	[tilespmem:s31+$0x11100] =	vst v30;
	v47 =	vor.u32 v1, v21;
	v23 =	vld.idx.msk [tilespmem:v23+s3+$0x0], $0xffff  }
0xac: {  	v51 =	vor.u32 v4, v32;
	[tilespmem:s31+$0x10F30] =	vst v26;
	v26 =	vld.idx.msk [tilespmem:v46+s3+$0x0], $0xffff  }
0xad: {  	[tilespmem:s31+$0x11200] =	vst v37  }
0xae: {  	v49 =	vor.u32 v4, v29;
	v57 =	vor.u32 v5, v32;
	v32 =	vld.idx.msk [tilespmem:v42+s3+$0x0], $0xffff;
	[tilespmem:s31+$0x11090] =	vst v24  }
0xaf: {  	v50 =	vor.u32 v4, v31;
	v27 =	vld.idx.msk [tilespmem:v48+s3+$0x0], $0xffff;
	[tilespmem:s31+$0x10F90] =	vst v22;
	v22 =	vor.u32 v4, v34  }
0xb0: {  	v55 =	vor.u32 v5, v31;
	v31 =	vld.idx.msk [tilespmem:v47+s3+$0x0], $0xffff;
	[tilespmem:s31+$0x11010] =	vst v23;
	v23 =	vor.u32 v4, v35  }
0xb1: {  	v36 =	vshll.u32 v43, $0x7;
	[tilespmem:s31+$0x11110] =	vst v26;
	v56 =	vld.idx.msk [tilespmem:v51+s3+$0x0], $0xffff  }
0xb2: {  	v45 =	vor.u32 v1, v36;
	[tilespmem:s31+$0x11190] =	vst v25;
	v58 =	vld.idx.msk [tilespmem:v52+s3+$0x0], $0xffff  }
0xb3: {  	[tilespmem:s31+$0x11300] =	vst v32;
	v28 =	vld.idx.msk [tilespmem:v49+s3+$0x0], $0xffff  }
0xb4: {  	[tilespmem:s31+$0x11210] =	vst v27;
	v27 =	vshll.u32 v60, $0x7;
	v22 =	vld.idx.msk [tilespmem:v22+s3+$0x0], $0xffff  }
0xb5: {  	[tilespmem:s31+$0x11500] =	vst v31;
	v40 =	vor.u32 v1, v27;
	v23 =	vld.idx.msk [tilespmem:v23+s3+$0x0], $0xffff  }
0xb6: {  	v53 =	vor.u32 v5, v29;
	v54 =	vld.idx.msk [tilespmem:v50+s3+$0x0], $0xffff;
	[tilespmem:s31+$0x110A0] =	vst v56  }
0xb7: {  	v29 =	vld.idx.msk [tilespmem:v45+s3+$0x0], $0xffff;
	[tilespmem:s31+$0x11120] =	vst v58  }
0xb8: {  	v61 =	vor.u32 v5, v34;
	v34 =	vshll.u32 v39, $0x7;
	v26 =	vld.idx.msk [tilespmem:v57+s3+$0x0], $0xffff;
	[tilespmem:s31+$0x10FA0] =	vst v28  }
0xb9: {  	v63 =	vor.u32 v5, v35;
	v35 =	vshll.u32 v41, $0x7;
	v25 =	vld.idx.msk [tilespmem:v59+s3+$0x0], $0xffff;
	[tilespmem:s31+$0x111A0] =	vst v22;
	v22 =	vor.u32 v1, v34  }
0xba: {  	v46 =	vld.idx.msk [tilespmem:v40+s3+$0x0], $0xffff;
	[tilespmem:s31+$0x11220] =	vst v23;
	v23 =	vor.u32 v1, v35  }
0xbb: {  	v49 =	vor.u32 v3, v33;
	[tilespmem:s31+$0x11020] =	vst v54;
	v24 =	vld.idx.msk [tilespmem:v53+s3+$0x0], $0xffff  }
0xbc: {  	[tilespmem:s31+$0x11480] =	vst v29;
	v30 =	vld.idx.msk [tilespmem:v55+s3+$0x0], $0xffff;
	v53 =	vor.u32 v3, v21  }
0xbd: {  	v48 =	vor.u32 v3, v27;
	[tilespmem:s31+$0x110B0] =	vst v26;
	v28 =	vld.idx.msk [tilespmem:v61+s3+$0x0], $0xffff  }
0xbe: {  	[tilespmem:s31+$0x11130] =	vst v25;
	v22 =	vld.idx.msk [tilespmem:v22+s3+$0x0], $0xffff  }
0xbf: {  	v50 =	vor.u32 v3, v34;
	[tilespmem:s31+$0x11280] =	vst v46;
	v23 =	vld.idx.msk [tilespmem:v23+s3+$0x0], $0xffff  }
0xc0: {  	v51 =	vor.u32 v3, v35;
	v25 =	vld.idx.msk [tilespmem:v49+s3+$0x0], $0xffff;
	[tilespmem:s31+$0x10FB0] =	vst v24  }
0xc1: {  	v52 =	vor.u32 v3, v36;
	[tilespmem:s31+$0x11030] =	vst v30;
	v32 =	vld.idx.msk [tilespmem:v53+s3+$0x0], $0xffff  }
0xc2: {  	v57 =	vor.u32 v4, v21;
	v26 =	vld.idx.msk [tilespmem:v48+s3+$0x0], $0xffff;
	[tilespmem:s31+$0x111B0] =	vst v28  }
0xc3: {  	v44 =	vld.idx.msk [tilespmem:v63+s3+$0x0], $0xffff;
	[tilespmem:s31+$0x11380] =	vst v22;
	v22 =	vor.u32 v4, v27  }
0xc4: {  	[tilespmem:s31+$0x11400] =	vst v23;
	v23 =	vor.u32 v4, v33;
	v28 =	vld.idx.msk [tilespmem:v50+s3+$0x0], $0xffff  }
0xc5: {  	v54 =	vor.u32 v4, v34;
	[tilespmem:s31+$0x11310] =	vst v25;
	v24 =	vld.idx.msk [tilespmem:v51+s3+$0x0], $0xffff  }
0xc6: {  	v55 =	vor.u32 v4, v35;
	v30 =	vld.idx.msk [tilespmem:v52+s3+$0x0], $0xffff;
	[tilespmem:s31+$0x11510] =	vst v32  }
0xc7: {  	v56 =	vor.u32 v4, v36;
	[tilespmem:s31+$0x11290] =	vst v26;
	v25 =	vld.idx.msk [tilespmem:v57+s3+$0x0], $0xffff  }
0xc8: {  	v21 =	vor.u32 v5, v21;
	[tilespmem:s31+$0x11230] =	vst v44;
	v22 =	vld.idx.msk [tilespmem:v22+s3+$0x0], $0xffff  }
0xc9: {  	v27 =	vor.u32 v5, v27;
	v23 =	vld.idx.msk [tilespmem:v23+s3+$0x0], $0xffff;
	[tilespmem:s31+$0x11390] =	vst v28  }
0xca: {  	v58 =	vor.u32 v5, v33;
	[tilespmem:s31+$0x11410] =	vst v24;
	v28 =	vld.idx.msk [tilespmem:v54+s3+$0x0], $0xffff  }
0xcb: {  	v59 =	vor.u32 v5, v34;
	[tilespmem:s31+$0x11490] =	vst v30;
	v60 =	vld.idx.msk [tilespmem:v55+s3+$0x0], $0xffff  }
0xcc: {  	v61 =	vor.u32 v5, v35;
	v26 =	vld.idx.msk [tilespmem:v56+s3+$0x0], $0xffff;
	[tilespmem:s31+$0x11520] =	vst v25  }
0xcd: {  	v21 =	vld.idx.msk [tilespmem:v21+s3+$0x0], $0xffff;
	[tilespmem:s31+$0x112A0] =	vst v22;
	v22 =	vor.u32 v5, v36  }
0xce: {  	[tilespmem:s31+$0x11320] =	vst v23;
	v23 =	vld.idx.msk [tilespmem:v27+s3+$0x0], $0xffff  }
0xcf: {  	v24 =	vld.idx.msk [tilespmem:v58+s3+$0x0], $0xffff;
	[tilespmem:s31+$0x113A0] =	vst v28  }
0xd0: {  	[tilespmem:s31+$0x11420] =	vst v60;
	v62 =	vld.idx.msk [tilespmem:v59+s3+$0x0], $0xffff  }
0xd1: {  	[tilespmem:s31+$0x114A0] =	vst v26;
	v63 =	vld.idx.msk [tilespmem:v61+s3+$0x0], $0xffff  }
0xd2: {  	p0 =	sne.s32 s22, $0x1E000;
	[tilespmem:s31+$0x11530] =	vst v21;
	v22 =	vld.idx.msk [tilespmem:v22+s3+$0x0], $0xffff  }
.Ltmp1:
0xd3: {  	[tilespmem:s31+$0x112B0] =	vst v23;
	(pc) =	sbr.rel @p0 .LBB2_4-.Ltmp1, $4  }
0xd4: {  	[tilespmem:s31+$0x11330] =	vst v24  }
0xd5: {  	[tilespmem:s31+$0x113B0] =	vst v62  }
0xd6: {  	[tilespmem:s31+$0x11430] =	vst v63  }
0xd7: {  	s23 =	sadd.s32 $0x10, s23;
	s22 =	sadd.s32 $0x2000, s22;
	[tilespmem:s31+$0x114B0] =	vst v22  }
0xd8: {  	[hbm4b:s11+s3] =	stream.linear.scatter [tilespmem:s19], [sflag:$0x2], $0x8000, $0x38;
	[tilespmem:$0x18D80] =	vst v63  }
0xd9: {  	s22 =	simm.s32 $0x1;
	s23 =	simm.s32 $0x200  }
.LBB2_6:
0xda: {  	_ =	swait.ge [sflag:s17], $0x8000  }
0xdb: {  	s26 =	sshrl.u32 s22, $0x2;
	[sflag:s17] =	ssyncset.done $0x0  }
0xdc: {  	s24 =	sadd.s32 s26, s10;
	[sflag:s17] =	ssyncadd.s32 $0xFFFF8000  }
0xdd: {  	s25 =	sshll.u32 s22, $0x9;
	s28 =	simm.s32 $0x0;
	s29 =	simm.s32 $0x9180;
	v20 =	vld.msk [tilespmem:s24+$0x0 ss:$0x0], $0xffff  }
.LBB2_7:
0xde: {  	s30 =	sadd.s32 s28, s23  }
0xdf: {  	s31 =	sand.u32 $0x70, s28;
	s30 =	sand.u32 $0x680, s30  }
0xe0: {  	s30 =	sor.u32 s31, s30  }
0xe1: {  	v21 =	vld [tilespmem:s30+$0x8400];
	_ =	sdelay $0x4  }
0xe2: {  	v21 =	vsub.s32 v21, v20  }
0xe3: {  	vm0 =	vgt.s32 v21, $0xFFFFFF80  }
0xe4: {  	v21 =	vnsel vm0, $0xFFFFFF80, v21  }
0xe5: {  	vm0 =	vlt.s32 v21, $0x80  }
0xe6: {  	v21 =	vnsel vm0, $0x80, v21  }
0xe7: {  	v21 =	vadd.s32 $0x80, v21  }
0xe8: {  	v22 =	vperm.xlane v21, v0  }
0xe9: {  	v23 =	vperm.xlane v21, v6  }
0xea: {  	v22 =	vshll.u32 v22, $0x7  }
0xeb: {  	v26 =	vperm.xlane v21, v8;
	v23 =	vshll.u32 v23, $0x7;
	v25 =	vor.u32 v1, v22  }
0xec: {  	v24 =	vperm.xlane v21, v7;
	v27 =	vor.u32 v1, v23  }
0xed: {  	v26 =	vshll.u32 v26, $0x7  }
0xee: {  	v24 =	vshll.u32 v24, $0x7;
	v29 =	vor.u32 v1, v26  }
0xef: {  	v28 =	vor.u32 v1, v24  }
0xf0: {  	v25 =	vld.idx.msk [tilespmem:v25+s3+$0x0], $0xffff  }
0xf1: {  	v30 =	vor.u32 v3, v22;
	v27 =	vld.idx.msk [tilespmem:v27+s3+$0x0], $0xffff  }
0xf2: {  	v31 =	vor.u32 v3, v23  }
0xf3: {  	v29 =	vld.idx.msk [tilespmem:v29+s3+$0x0], $0xffff  }
0xf4: {  	v33 =	vor.u32 v3, v26;
	v28 =	vld.idx.msk [tilespmem:v28+s3+$0x0], $0xffff  }
0xf5: {  	v32 =	vor.u32 v3, v24;
	[tilespmem:s29+$0xFFFFFC00] =	vst v25  }
0xf6: {  	v34 =	vperm.xlane v21, v12;
	[tilespmem:s29+$0xFFFFFC80] =	vst v27;
	v25 =	vld.idx.msk [tilespmem:v30+s3+$0x0], $0xffff  }
0xf7: {  	v36 =	vperm.xlane v21, v9;
	v55 =	vor.u32 v4, v22;
	v56 =	vld.idx.msk [tilespmem:v31+s3+$0x0], $0xffff  }
0xf8: {  	v34 =	vshll.u32 v34, $0x7;
	v57 =	vor.u32 v4, v23;
	[tilespmem:s29+$0xFFFFFD80] =	vst v29  }
0xf9: {  	v38 =	vperm.xlane v21, v10;
	[tilespmem:s29+$0xFFFFFD00] =	vst v28;
	v29 =	vshll.u32 v36, $0x7;
	v36 =	vor.u32 v1, v34;
	v60 =	vld.idx.msk [tilespmem:v33+s3+$0x0], $0xffff  }
0xfa: {  	v61 =	vor.u32 v4, v26;
	v58 =	vld.idx.msk [tilespmem:v32+s3+$0x0], $0xffff  }
0xfb: {  	v59 =	vor.u32 v4, v24;
	v31 =	vshll.u32 v38, $0x7;
	[tilespmem:s29+$0xFFFFFC10] =	vst v25  }
0xfc: {  	v39 =	vperm.xlane v21, v11;
	v42 =	vor.u32 v1, v31;
	[tilespmem:s29+$0xFFFFFC90] =	vst v56;
	v25 =	vld.idx.msk [tilespmem:v55+s3+$0x0], $0xffff  }
0xfd: {  	v22 =	vor.u32 v5, v22;
	v62 =	vld.idx.msk [tilespmem:v57+s3+$0x0], $0xffff  }
0xfe: {  	v23 =	vor.u32 v5, v23;
	v32 =	vshll.u32 v39, $0x7;
	v36 =	vld.idx.msk [tilespmem:v36+s3+$0x0], $0xffff;
	[tilespmem:s29+$0xFFFFFD90] =	vst v60  }
0xff: {  	v41 =	vperm.xlane v21, v2;
	v43 =	vor.u32 v1, v32;
	[tilespmem:s29+$0xFFFFFD10] =	vst v58;
	v37 =	vld.idx.msk [tilespmem:v61+s3+$0x0], $0xffff  }
0x100: {  	v40 =	vor.u32 v1, v29;
	v63 =	vld.idx.msk [tilespmem:v59+s3+$0x0], $0xffff  }
0x101: {  	v35 =	vperm.xlane v21, v13;
	v24 =	vor.u32 v5, v24;
	v33 =	vshll.u32 v41, $0x7;
	v27 =	vld.idx.msk [tilespmem:v42+s3+$0x0], $0xffff;
	[tilespmem:s29+$0xFFFFFC20] =	vst v25  }
0x102: {  	v44 =	vor.u32 v1, v33;
	[tilespmem:s29+$0xFFFFFCA0] =	vst v62;
	v22 =	vld.idx.msk [tilespmem:v22+s3+$0x0], $0xffff  }
0x103: {  	v35 =	vshll.u32 v35, $0x7;
	v26 =	vor.u32 v5, v26;
	v23 =	vld.idx.msk [tilespmem:v23+s3+$0x0], $0xffff  }
0x104: {  	v47 =	vor.u32 v3, v34;
	v28 =	vld.idx.msk [tilespmem:v43+s3+$0x0], $0xffff;
	[tilespmem:s29+$0xFFFFFDA0] =	vst v37;
	v37 =	vor.u32 v1, v35  }
0x105: {  	v39 =	vperm.xlane v21, v16;
	v41 =	vperm.xlane v21, v17;
	[tilespmem:s29+$0xFFFFFD20] =	vst v63;
	v25 =	vld.idx.msk [tilespmem:v40+s3+$0x0], $0xffff  }
0x106: {  	v45 =	vor.u32 v3, v32;
	v46 =	vor.u32 v3, v33;
	[tilespmem:s29+$0x0] =	vst v36;
	v24 =	vld.idx.msk [tilespmem:v24+s3+$0x0], $0xffff  }
0x107: {  	v52 =	vor.u32 v4, v33;
	v30 =	vld.idx.msk [tilespmem:v44+s3+$0x0], $0xffff;
	[tilespmem:s29+$0xFFFFFC30] =	vst v22;
	v22 =	vor.u32 v3, v29  }
0x108: {  	v62 =	vperm.xlane v21, v15;
	v26 =	vld.idx.msk [tilespmem:v26+s3+$0x0], $0xffff;
	[tilespmem:s29+$0xFFFFFCB0] =	vst v23;
	v23 =	vor.u32 v3, v31  }
0x109: {  	v60 =	vperm.xlane v21, v14;
	v59 =	vor.u32 v5, v33;
	[tilespmem:s29+$0xFFFFFF00] =	vst v28;
	v37 =	vld.idx.msk [tilespmem:v37+s3+$0x0], $0xffff  }
0x10a: {  	v43 =	vperm.xlane v21, v18;
	v21 =	vperm.xlane v21, v19;
	v33 =	vshll.u32 v62, $0x7;
	[tilespmem:s29+$0xFFFFFE00] =	vst v25;
	v25 =	vld.idx.msk [tilespmem:v47+s3+$0x0], $0xffff  }
0x10b: {  	v42 =	vor.u32 v1, v33;
	[tilespmem:s29+$0xFFFFFD30] =	vst v24;
	v24 =	vld.idx.msk [tilespmem:v45+s3+$0x0], $0xffff  }
0x10c: {  	v48 =	vor.u32 v3, v35;
	[tilespmem:s29+$0xFFFFFE80] =	vst v27;
	v21 =	vshll.u32 v21, $0x7;
	v22 =	vld.idx.msk [tilespmem:v22+s3+$0x0], $0xffff  }
0x10d: {  	[tilespmem:s29+$0xFFFFFF80] =	vst v30;
	v47 =	vor.u32 v1, v21;
	v23 =	vld.idx.msk [tilespmem:v23+s3+$0x0], $0xffff  }
0x10e: {  	v51 =	vor.u32 v4, v32;
	[tilespmem:s29+$0xFFFFFDB0] =	vst v26;
	v26 =	vld.idx.msk [tilespmem:v46+s3+$0x0], $0xffff  }
0x10f: {  	[tilespmem:s29+$0x80] =	vst v37  }
0x110: {  	v49 =	vor.u32 v4, v29;
	v57 =	vor.u32 v5, v32;
	v32 =	vld.idx.msk [tilespmem:v42+s3+$0x0], $0xffff;
	[tilespmem:s29+$0xFFFFFF10] =	vst v24  }
0x111: {  	v50 =	vor.u32 v4, v31;
	v27 =	vld.idx.msk [tilespmem:v48+s3+$0x0], $0xffff;
	[tilespmem:s29+$0xFFFFFE10] =	vst v22;
	v22 =	vor.u32 v4, v34  }
0x112: {  	v55 =	vor.u32 v5, v31;
	v31 =	vld.idx.msk [tilespmem:v47+s3+$0x0], $0xffff;
	[tilespmem:s29+$0xFFFFFE90] =	vst v23;
	v23 =	vor.u32 v4, v35  }
0x113: {  	v36 =	vshll.u32 v43, $0x7;
	[tilespmem:s29+$0xFFFFFF90] =	vst v26;
	v56 =	vld.idx.msk [tilespmem:v51+s3+$0x0], $0xffff  }
0x114: {  	v45 =	vor.u32 v1, v36;
	[tilespmem:s29+$0x10] =	vst v25;
	v58 =	vld.idx.msk [tilespmem:v52+s3+$0x0], $0xffff  }
0x115: {  	[tilespmem:s29+$0x180] =	vst v32;
	v28 =	vld.idx.msk [tilespmem:v49+s3+$0x0], $0xffff  }
0x116: {  	[tilespmem:s29+$0x90] =	vst v27;
	v27 =	vshll.u32 v60, $0x7;
	v22 =	vld.idx.msk [tilespmem:v22+s3+$0x0], $0xffff  }
0x117: {  	[tilespmem:s29+$0x380] =	vst v31;
	v40 =	vor.u32 v1, v27;
	v23 =	vld.idx.msk [tilespmem:v23+s3+$0x0], $0xffff  }
0x118: {  	v53 =	vor.u32 v5, v29;
	v54 =	vld.idx.msk [tilespmem:v50+s3+$0x0], $0xffff;
	[tilespmem:s29+$0xFFFFFF20] =	vst v56  }
0x119: {  	v29 =	vld.idx.msk [tilespmem:v45+s3+$0x0], $0xffff;
	[tilespmem:s29+$0xFFFFFFA0] =	vst v58  }
0x11a: {  	v61 =	vor.u32 v5, v34;
	v34 =	vshll.u32 v39, $0x7;
	v26 =	vld.idx.msk [tilespmem:v57+s3+$0x0], $0xffff;
	[tilespmem:s29+$0xFFFFFE20] =	vst v28  }
0x11b: {  	v63 =	vor.u32 v5, v35;
	v35 =	vshll.u32 v41, $0x7;
	v25 =	vld.idx.msk [tilespmem:v59+s3+$0x0], $0xffff;
	[tilespmem:s29+$0x20] =	vst v22;
	v22 =	vor.u32 v1, v34  }
0x11c: {  	v46 =	vld.idx.msk [tilespmem:v40+s3+$0x0], $0xffff;
	[tilespmem:s29+$0xA0] =	vst v23;
	v23 =	vor.u32 v1, v35  }
0x11d: {  	v49 =	vor.u32 v3, v33;
	[tilespmem:s29+$0xFFFFFEA0] =	vst v54;
	v24 =	vld.idx.msk [tilespmem:v53+s3+$0x0], $0xffff  }
0x11e: {  	[tilespmem:s29+$0x300] =	vst v29;
	v30 =	vld.idx.msk [tilespmem:v55+s3+$0x0], $0xffff;
	v53 =	vor.u32 v3, v21  }
0x11f: {  	v48 =	vor.u32 v3, v27;
	[tilespmem:s29+$0xFFFFFF30] =	vst v26;
	v28 =	vld.idx.msk [tilespmem:v61+s3+$0x0], $0xffff  }
0x120: {  	[tilespmem:s29+$0xFFFFFFB0] =	vst v25;
	v22 =	vld.idx.msk [tilespmem:v22+s3+$0x0], $0xffff  }
0x121: {  	v50 =	vor.u32 v3, v34;
	[tilespmem:s29+$0x100] =	vst v46;
	v23 =	vld.idx.msk [tilespmem:v23+s3+$0x0], $0xffff  }
0x122: {  	v51 =	vor.u32 v3, v35;
	v25 =	vld.idx.msk [tilespmem:v49+s3+$0x0], $0xffff;
	[tilespmem:s29+$0xFFFFFE30] =	vst v24  }
0x123: {  	v52 =	vor.u32 v3, v36;
	[tilespmem:s29+$0xFFFFFEB0] =	vst v30;
	v32 =	vld.idx.msk [tilespmem:v53+s3+$0x0], $0xffff  }
0x124: {  	v57 =	vor.u32 v4, v21;
	v26 =	vld.idx.msk [tilespmem:v48+s3+$0x0], $0xffff;
	[tilespmem:s29+$0x30] =	vst v28  }
0x125: {  	v44 =	vld.idx.msk [tilespmem:v63+s3+$0x0], $0xffff;
	[tilespmem:s29+$0x200] =	vst v22;
	v22 =	vor.u32 v4, v27  }
0x126: {  	[tilespmem:s29+$0x280] =	vst v23;
	v23 =	vor.u32 v4, v33;
	v28 =	vld.idx.msk [tilespmem:v50+s3+$0x0], $0xffff  }
0x127: {  	v54 =	vor.u32 v4, v34;
	[tilespmem:s29+$0x190] =	vst v25;
	v24 =	vld.idx.msk [tilespmem:v51+s3+$0x0], $0xffff  }
0x128: {  	v55 =	vor.u32 v4, v35;
	v30 =	vld.idx.msk [tilespmem:v52+s3+$0x0], $0xffff;
	[tilespmem:s29+$0x390] =	vst v32  }
0x129: {  	v56 =	vor.u32 v4, v36;
	[tilespmem:s29+$0x110] =	vst v26;
	v25 =	vld.idx.msk [tilespmem:v57+s3+$0x0], $0xffff  }
0x12a: {  	v21 =	vor.u32 v5, v21;
	[tilespmem:s29+$0xB0] =	vst v44;
	v22 =	vld.idx.msk [tilespmem:v22+s3+$0x0], $0xffff  }
0x12b: {  	v27 =	vor.u32 v5, v27;
	v23 =	vld.idx.msk [tilespmem:v23+s3+$0x0], $0xffff;
	[tilespmem:s29+$0x210] =	vst v28  }
0x12c: {  	v58 =	vor.u32 v5, v33;
	[tilespmem:s29+$0x290] =	vst v24;
	v28 =	vld.idx.msk [tilespmem:v54+s3+$0x0], $0xffff  }
0x12d: {  	v59 =	vor.u32 v5, v34;
	[tilespmem:s29+$0x310] =	vst v30;
	v60 =	vld.idx.msk [tilespmem:v55+s3+$0x0], $0xffff  }
0x12e: {  	v61 =	vor.u32 v5, v35;
	v26 =	vld.idx.msk [tilespmem:v56+s3+$0x0], $0xffff;
	[tilespmem:s29+$0x3A0] =	vst v25  }
0x12f: {  	v21 =	vld.idx.msk [tilespmem:v21+s3+$0x0], $0xffff;
	[tilespmem:s29+$0x120] =	vst v22;
	v22 =	vor.u32 v5, v36  }
0x130: {  	[tilespmem:s29+$0x1A0] =	vst v23;
	v23 =	vld.idx.msk [tilespmem:v27+s3+$0x0], $0xffff  }
0x131: {  	v24 =	vld.idx.msk [tilespmem:v58+s3+$0x0], $0xffff;
	[tilespmem:s29+$0x220] =	vst v28  }
0x132: {  	[tilespmem:s29+$0x2A0] =	vst v60;
	v62 =	vld.idx.msk [tilespmem:v59+s3+$0x0], $0xffff  }
0x133: {  	[tilespmem:s29+$0x320] =	vst v26;
	v63 =	vld.idx.msk [tilespmem:v61+s3+$0x0], $0xffff  }
0x134: {  	p0 =	sne.s32 s28, $0xF0;
	[tilespmem:s29+$0x3B0] =	vst v21;
	v22 =	vld.idx.msk [tilespmem:v22+s3+$0x0], $0xffff  }
.Ltmp2:
0x135: {  	[tilespmem:s29+$0x130] =	vst v23;
	(pc) =	sbr.rel @p0 .LBB2_7-.Ltmp2, $4  }
0x136: {  	[tilespmem:s29+$0x1B0] =	vst v24  }
0x137: {  	[tilespmem:s29+$0x230] =	vst v62  }
0x138: {  	[tilespmem:s29+$0x2B0] =	vst v63  }
0x139: {  	s28 =	sadd.s32 $0x10, s28;
	[tilespmem:s29+$0x330] =	vst v22;
	s29 =	sadd.s32 $0x800, s29  }
0x13a: {  	s28 =	sshll.u32 s22, $0x10  }
0x13b: {  	s26 =	sshll.u32 s26, $0x12;
	s28 =	sand.u32 $0x30000, s28  }
0x13c: {  	s26 =	sadd.s32 s6, s26;
	s28 =	sor.u32 s5, s28  }
0x13d: {  	s28 =	sor.u32 s26, s28  }
0x13e: {  	s28 =	sshrl.u32 s28, $0x3  }
0x13f: {  	s29 =	sadd.s32 s7, s28;
	s28 =	simm.s32 $0x0  }
0x140: {  	[hbm4b:s29+s28] =	stream.linear.scatter [tilespmem:s18], [sflag:$0x1], $0x8000, $0x38;
	[tilespmem:$0x18D80] =	vst v63  }
0x141: {  	_ =	swait.ge [sflag:s20], $0x8000  }
0x142: {  	[sflag:s20] =	ssyncset.done $0x0  }
0x143: {  	s25 =	sand.u32 $0x600, s25;
	[sflag:s20] =	ssyncadd.s32 $0xFFFF8000  }
0x144: {  	s29 =	simm.s32 $0x0;
	v20 =	vld.msk [tilespmem:s24+$0x0 ss:$0x0], $0xffff;
	s24 =	sor.u32 $0x100, s25;
	s25 =	sadd.s32 $0x8500, s25  }
.LBB2_9:
0x145: {  	s30 =	sand.u32 $0x80, s28  }
0x146: {  	s31 =	sand.u32 $0x70, s28;
	s30 =	sadd.s32 s30, s25  }
0x147: {  	s30 =	sadd.s32 s31, s30  }
0x148: {  	v21 =	vld [tilespmem:s30+$0x0];
	_ =	sdelay $0x4  }
0x149: {  	v21 =	vsub.s32 v21, v20  }
0x14a: {  	vm0 =	vgt.s32 v21, $0xFFFFFF80  }
0x14b: {  	v21 =	vnsel vm0, $0xFFFFFF80, v21  }
0x14c: {  	vm0 =	vlt.s32 v21, $0x80  }
0x14d: {  	v21 =	vnsel vm0, $0x80, v21  }
0x14e: {  	v21 =	vadd.s32 $0x80, v21  }
0x14f: {  	v22 =	vperm.xlane v21, v0  }
0x150: {  	v23 =	vperm.xlane v21, v6  }
0x151: {  	v22 =	vshll.u32 v22, $0x7  }
0x152: {  	v26 =	vperm.xlane v21, v8;
	v23 =	vshll.u32 v23, $0x7;
	v25 =	vor.u32 v1, v22  }
0x153: {  	v24 =	vperm.xlane v21, v7;
	v27 =	vor.u32 v1, v23  }
0x154: {  	v26 =	vshll.u32 v26, $0x7  }
0x155: {  	v24 =	vshll.u32 v24, $0x7;
	v29 =	vor.u32 v1, v26  }
0x156: {  	v28 =	vor.u32 v1, v24  }
0x157: {  	v25 =	vld.idx.msk [tilespmem:v25+s3+$0x0], $0xffff  }
0x158: {  	v30 =	vor.u32 v3, v22;
	v27 =	vld.idx.msk [tilespmem:v27+s3+$0x0], $0xffff  }
0x159: {  	v31 =	vor.u32 v3, v23  }
0x15a: {  	v29 =	vld.idx.msk [tilespmem:v29+s3+$0x0], $0xffff  }
0x15b: {  	s31 =	sshra.s32 s29, $0x2;
	v33 =	vor.u32 v3, v26;
	v28 =	vld.idx.msk [tilespmem:v28+s3+$0x0], $0xffff  }
0x15c: {  	v32 =	vor.u32 v3, v24;
	[tilespmem:s31+$0x10D80] =	vst v25  }
0x15d: {  	v34 =	vperm.xlane v21, v12;
	[tilespmem:s31+$0x10E00] =	vst v27;
	v25 =	vld.idx.msk [tilespmem:v30+s3+$0x0], $0xffff  }
0x15e: {  	v36 =	vperm.xlane v21, v9;
	v55 =	vor.u32 v4, v22;
	v56 =	vld.idx.msk [tilespmem:v31+s3+$0x0], $0xffff  }
0x15f: {  	v34 =	vshll.u32 v34, $0x7;
	v57 =	vor.u32 v4, v23;
	[tilespmem:s31+$0x10F00] =	vst v29  }
0x160: {  	v38 =	vperm.xlane v21, v10;
	[tilespmem:s31+$0x10E80] =	vst v28;
	v29 =	vshll.u32 v36, $0x7;
	v36 =	vor.u32 v1, v34;
	v60 =	vld.idx.msk [tilespmem:v33+s3+$0x0], $0xffff  }
0x161: {  	v61 =	vor.u32 v4, v26;
	v58 =	vld.idx.msk [tilespmem:v32+s3+$0x0], $0xffff  }
0x162: {  	v59 =	vor.u32 v4, v24;
	v31 =	vshll.u32 v38, $0x7;
	[tilespmem:s31+$0x10D90] =	vst v25  }
0x163: {  	v39 =	vperm.xlane v21, v11;
	v42 =	vor.u32 v1, v31;
	[tilespmem:s31+$0x10E10] =	vst v56;
	v25 =	vld.idx.msk [tilespmem:v55+s3+$0x0], $0xffff  }
0x164: {  	v22 =	vor.u32 v5, v22;
	v62 =	vld.idx.msk [tilespmem:v57+s3+$0x0], $0xffff  }
0x165: {  	v23 =	vor.u32 v5, v23;
	v32 =	vshll.u32 v39, $0x7;
	v36 =	vld.idx.msk [tilespmem:v36+s3+$0x0], $0xffff;
	[tilespmem:s31+$0x10F10] =	vst v60  }
0x166: {  	v41 =	vperm.xlane v21, v2;
	v43 =	vor.u32 v1, v32;
	[tilespmem:s31+$0x10E90] =	vst v58;
	v37 =	vld.idx.msk [tilespmem:v61+s3+$0x0], $0xffff  }
0x167: {  	v40 =	vor.u32 v1, v29;
	v63 =	vld.idx.msk [tilespmem:v59+s3+$0x0], $0xffff  }
0x168: {  	v35 =	vperm.xlane v21, v13;
	v24 =	vor.u32 v5, v24;
	v33 =	vshll.u32 v41, $0x7;
	v27 =	vld.idx.msk [tilespmem:v42+s3+$0x0], $0xffff;
	[tilespmem:s31+$0x10DA0] =	vst v25  }
0x169: {  	v44 =	vor.u32 v1, v33;
	[tilespmem:s31+$0x10E20] =	vst v62;
	v22 =	vld.idx.msk [tilespmem:v22+s3+$0x0], $0xffff  }
0x16a: {  	v35 =	vshll.u32 v35, $0x7;
	v26 =	vor.u32 v5, v26;
	v23 =	vld.idx.msk [tilespmem:v23+s3+$0x0], $0xffff  }
0x16b: {  	v47 =	vor.u32 v3, v34;
	v28 =	vld.idx.msk [tilespmem:v43+s3+$0x0], $0xffff;
	[tilespmem:s31+$0x10F20] =	vst v37;
	v37 =	vor.u32 v1, v35  }
0x16c: {  	v39 =	vperm.xlane v21, v16;
	v41 =	vperm.xlane v21, v17;
	[tilespmem:s31+$0x10EA0] =	vst v63;
	v25 =	vld.idx.msk [tilespmem:v40+s3+$0x0], $0xffff  }
0x16d: {  	v45 =	vor.u32 v3, v32;
	v46 =	vor.u32 v3, v33;
	[tilespmem:s31+$0x11180] =	vst v36;
	v24 =	vld.idx.msk [tilespmem:v24+s3+$0x0], $0xffff  }
0x16e: {  	v52 =	vor.u32 v4, v33;
	v30 =	vld.idx.msk [tilespmem:v44+s3+$0x0], $0xffff;
	[tilespmem:s31+$0x10DB0] =	vst v22;
	v22 =	vor.u32 v3, v29  }
0x16f: {  	v62 =	vperm.xlane v21, v15;
	v26 =	vld.idx.msk [tilespmem:v26+s3+$0x0], $0xffff;
	[tilespmem:s31+$0x10E30] =	vst v23;
	v23 =	vor.u32 v3, v31  }
0x170: {  	v60 =	vperm.xlane v21, v14;
	v59 =	vor.u32 v5, v33;
	[tilespmem:s31+$0x11080] =	vst v28;
	v37 =	vld.idx.msk [tilespmem:v37+s3+$0x0], $0xffff  }
0x171: {  	v43 =	vperm.xlane v21, v18;
	v21 =	vperm.xlane v21, v19;
	v33 =	vshll.u32 v62, $0x7;
	[tilespmem:s31+$0x10F80] =	vst v25;
	v25 =	vld.idx.msk [tilespmem:v47+s3+$0x0], $0xffff  }
0x172: {  	v42 =	vor.u32 v1, v33;
	[tilespmem:s31+$0x10EB0] =	vst v24;
	v24 =	vld.idx.msk [tilespmem:v45+s3+$0x0], $0xffff  }
0x173: {  	v48 =	vor.u32 v3, v35;
	[tilespmem:s31+$0x11000] =	vst v27;
	v21 =	vshll.u32 v21, $0x7;
	v22 =	vld.idx.msk [tilespmem:v22+s3+$0x0], $0xffff  }
0x174: {  	[tilespmem:s31+$0x11100] =	vst v30;
	v47 =	vor.u32 v1, v21;
	v23 =	vld.idx.msk [tilespmem:v23+s3+$0x0], $0xffff  }
0x175: {  	v51 =	vor.u32 v4, v32;
	[tilespmem:s31+$0x10F30] =	vst v26;
	v26 =	vld.idx.msk [tilespmem:v46+s3+$0x0], $0xffff  }
0x176: {  	[tilespmem:s31+$0x11200] =	vst v37  }
0x177: {  	v49 =	vor.u32 v4, v29;
	v57 =	vor.u32 v5, v32;
	v32 =	vld.idx.msk [tilespmem:v42+s3+$0x0], $0xffff;
	[tilespmem:s31+$0x11090] =	vst v24  }
0x178: {  	v50 =	vor.u32 v4, v31;
	v27 =	vld.idx.msk [tilespmem:v48+s3+$0x0], $0xffff;
	[tilespmem:s31+$0x10F90] =	vst v22;
	v22 =	vor.u32 v4, v34  }
0x179: {  	v55 =	vor.u32 v5, v31;
	v31 =	vld.idx.msk [tilespmem:v47+s3+$0x0], $0xffff;
	[tilespmem:s31+$0x11010] =	vst v23;
	v23 =	vor.u32 v4, v35  }
0x17a: {  	v36 =	vshll.u32 v43, $0x7;
	[tilespmem:s31+$0x11110] =	vst v26;
	v56 =	vld.idx.msk [tilespmem:v51+s3+$0x0], $0xffff  }
0x17b: {  	v45 =	vor.u32 v1, v36;
	[tilespmem:s31+$0x11190] =	vst v25;
	v58 =	vld.idx.msk [tilespmem:v52+s3+$0x0], $0xffff  }
0x17c: {  	[tilespmem:s31+$0x11300] =	vst v32;
	v28 =	vld.idx.msk [tilespmem:v49+s3+$0x0], $0xffff  }
0x17d: {  	[tilespmem:s31+$0x11210] =	vst v27;
	v27 =	vshll.u32 v60, $0x7;
	v22 =	vld.idx.msk [tilespmem:v22+s3+$0x0], $0xffff  }
0x17e: {  	[tilespmem:s31+$0x11500] =	vst v31;
	v40 =	vor.u32 v1, v27;
	v23 =	vld.idx.msk [tilespmem:v23+s3+$0x0], $0xffff  }
0x17f: {  	v53 =	vor.u32 v5, v29;
	v54 =	vld.idx.msk [tilespmem:v50+s3+$0x0], $0xffff;
	[tilespmem:s31+$0x110A0] =	vst v56  }
0x180: {  	v29 =	vld.idx.msk [tilespmem:v45+s3+$0x0], $0xffff;
	[tilespmem:s31+$0x11120] =	vst v58  }
0x181: {  	v61 =	vor.u32 v5, v34;
	v34 =	vshll.u32 v39, $0x7;
	v26 =	vld.idx.msk [tilespmem:v57+s3+$0x0], $0xffff;
	[tilespmem:s31+$0x10FA0] =	vst v28  }
0x182: {  	v63 =	vor.u32 v5, v35;
	v35 =	vshll.u32 v41, $0x7;
	v25 =	vld.idx.msk [tilespmem:v59+s3+$0x0], $0xffff;
	[tilespmem:s31+$0x111A0] =	vst v22;
	v22 =	vor.u32 v1, v34  }
0x183: {  	v46 =	vld.idx.msk [tilespmem:v40+s3+$0x0], $0xffff;
	[tilespmem:s31+$0x11220] =	vst v23;
	v23 =	vor.u32 v1, v35  }
0x184: {  	v49 =	vor.u32 v3, v33;
	[tilespmem:s31+$0x11020] =	vst v54;
	v24 =	vld.idx.msk [tilespmem:v53+s3+$0x0], $0xffff  }
0x185: {  	[tilespmem:s31+$0x11480] =	vst v29;
	v30 =	vld.idx.msk [tilespmem:v55+s3+$0x0], $0xffff;
	v53 =	vor.u32 v3, v21  }
0x186: {  	v48 =	vor.u32 v3, v27;
	[tilespmem:s31+$0x110B0] =	vst v26;
	v28 =	vld.idx.msk [tilespmem:v61+s3+$0x0], $0xffff  }
0x187: {  	[tilespmem:s31+$0x11130] =	vst v25;
	v22 =	vld.idx.msk [tilespmem:v22+s3+$0x0], $0xffff  }
0x188: {  	v50 =	vor.u32 v3, v34;
	[tilespmem:s31+$0x11280] =	vst v46;
	v23 =	vld.idx.msk [tilespmem:v23+s3+$0x0], $0xffff  }
0x189: {  	v51 =	vor.u32 v3, v35;
	v25 =	vld.idx.msk [tilespmem:v49+s3+$0x0], $0xffff;
	[tilespmem:s31+$0x10FB0] =	vst v24  }
0x18a: {  	v52 =	vor.u32 v3, v36;
	[tilespmem:s31+$0x11030] =	vst v30;
	v32 =	vld.idx.msk [tilespmem:v53+s3+$0x0], $0xffff  }
0x18b: {  	v57 =	vor.u32 v4, v21;
	v26 =	vld.idx.msk [tilespmem:v48+s3+$0x0], $0xffff;
	[tilespmem:s31+$0x111B0] =	vst v28  }
0x18c: {  	v44 =	vld.idx.msk [tilespmem:v63+s3+$0x0], $0xffff;
	[tilespmem:s31+$0x11380] =	vst v22;
	v22 =	vor.u32 v4, v27  }
0x18d: {  	[tilespmem:s31+$0x11400] =	vst v23;
	v23 =	vor.u32 v4, v33;
	v28 =	vld.idx.msk [tilespmem:v50+s3+$0x0], $0xffff  }
0x18e: {  	v54 =	vor.u32 v4, v34;
	[tilespmem:s31+$0x11310] =	vst v25;
	v24 =	vld.idx.msk [tilespmem:v51+s3+$0x0], $0xffff  }
0x18f: {  	v55 =	vor.u32 v4, v35;
	v30 =	vld.idx.msk [tilespmem:v52+s3+$0x0], $0xffff;
	[tilespmem:s31+$0x11510] =	vst v32  }
0x190: {  	v56 =	vor.u32 v4, v36;
	[tilespmem:s31+$0x11290] =	vst v26;
	v25 =	vld.idx.msk [tilespmem:v57+s3+$0x0], $0xffff  }
0x191: {  	v21 =	vor.u32 v5, v21;
	[tilespmem:s31+$0x11230] =	vst v44;
	v22 =	vld.idx.msk [tilespmem:v22+s3+$0x0], $0xffff  }
0x192: {  	v27 =	vor.u32 v5, v27;
	v23 =	vld.idx.msk [tilespmem:v23+s3+$0x0], $0xffff;
	[tilespmem:s31+$0x11390] =	vst v28  }
0x193: {  	v58 =	vor.u32 v5, v33;
	[tilespmem:s31+$0x11410] =	vst v24;
	v28 =	vld.idx.msk [tilespmem:v54+s3+$0x0], $0xffff  }
0x194: {  	v59 =	vor.u32 v5, v34;
	[tilespmem:s31+$0x11490] =	vst v30;
	v60 =	vld.idx.msk [tilespmem:v55+s3+$0x0], $0xffff  }
0x195: {  	v61 =	vor.u32 v5, v35;
	v26 =	vld.idx.msk [tilespmem:v56+s3+$0x0], $0xffff;
	[tilespmem:s31+$0x11520] =	vst v25  }
0x196: {  	v21 =	vld.idx.msk [tilespmem:v21+s3+$0x0], $0xffff;
	[tilespmem:s31+$0x112A0] =	vst v22;
	v22 =	vor.u32 v5, v36  }
0x197: {  	[tilespmem:s31+$0x11320] =	vst v23;
	v23 =	vld.idx.msk [tilespmem:v27+s3+$0x0], $0xffff  }
0x198: {  	v24 =	vld.idx.msk [tilespmem:v58+s3+$0x0], $0xffff;
	[tilespmem:s31+$0x113A0] =	vst v28  }
0x199: {  	[tilespmem:s31+$0x11420] =	vst v60;
	v62 =	vld.idx.msk [tilespmem:v59+s3+$0x0], $0xffff  }
0x19a: {  	[tilespmem:s31+$0x114A0] =	vst v26;
	v63 =	vld.idx.msk [tilespmem:v61+s3+$0x0], $0xffff  }
0x19b: {  	p0 =	sne.s32 s29, $0x1E000;
	[tilespmem:s31+$0x11530] =	vst v21;
	v22 =	vld.idx.msk [tilespmem:v22+s3+$0x0], $0xffff  }
.Ltmp3:
0x19c: {  	[tilespmem:s31+$0x112B0] =	vst v23;
	(pc) =	sbr.rel @p0 .LBB2_9-.Ltmp3, $4  }
0x19d: {  	[tilespmem:s31+$0x11330] =	vst v24  }
0x19e: {  	[tilespmem:s31+$0x113B0] =	vst v62  }
0x19f: {  	[tilespmem:s31+$0x11430] =	vst v63  }
0x1a0: {  	s28 =	sadd.s32 $0x10, s28;
	s29 =	sadd.s32 $0x2000, s29;
	[tilespmem:s31+$0x114B0] =	vst v22  }
0x1a1: {  	s22 =	sadd.s32 $0x1, s22  }
0x1a2: {  	s24 =	sshll.u32 s24, $0x7;
	p0 =	sne.s32 s22, $0x20  }
.Ltmp4:
0x1a3: {  	s24 =	sor.u32 s26, s24;
	(pc) =	sbr.rel @p0 .LBB2_6-.Ltmp4, $4  }
0x1a4: {  	s24 =	sadd.s32 s5, s24  }
0x1a5: {  	s24 =	sshrl.u32 s24, $0x3  }
0x1a6: {  	s23 =	sadd.s32 $0x200, s23;
	s24 =	sadd.s32 s7, s24  }
0x1a7: {  	[hbm4b:s24+s3] =	stream.linear.scatter [tilespmem:s19], [sflag:$0x2], $0x8000, $0x38;
	[tilespmem:$0x18D80] =	vst v63  }
0x1a8: {  	s21 =	sadd.s32 $0x1, s21  }
0x1a9: {  	_ =	swait.ge [sflag:s17], $0x8000;
	p0 =	sne.s32 s21, s12  }
.Ltmp5:
0x1aa: {  	[sflag:s17] =	ssyncset.done $0x0;
	(pc) =	sbr.rel @p0 .LBB2_1-.Ltmp5, $4  }
0x1ab: {  	[sflag:s17] =	ssyncadd.s32 $0xFFFF8000  }
0x1ac: {  	_ =	swait.ge [sflag:s20], $0x8000  }
0x1ad: {  	[sflag:s20] =	ssyncset.done $0x0  }
0x1ae: {  	[sflag:s20] =	ssyncadd.s32 $0xFFFF8000  }
0x1af: {  	_ =	sfence.sel $0x180000  }
0x1b0: {  	[bflag:$0x0] =	sbarrier.arrive $0xFFFF  }
0x1b1: {  	p0 =	sne.s32 s1, $0x0;
	_ =	strace $0x90000047  }
0x1b2: {  	s0 =	sadd.s32 @!p0 $0x100000, s0;
	[bflag:$0x2] =	sbarrier.arrive $0xFFFF  }
0x1b3: {  	[sflag:s0] =	ssyncadd.tile.s32 @!p0 $0x1;
	_ =	shalt  }
.Lfunc_end2:
_tile_overlayer_lowered:
.L_overlay_start_2:
0x1b4: {  	(tag) =	ssettag $0x2  }
0x1b5: {  	s0 =	rddreg [dreg:$0x0];
	s2 =	stileid.u32  }
0x1b6: {  	s1 =	rddreg [dreg:$0x1];
	p0 =	sne.s32 s2, $0x0  }
0x1b7: {  	s3 =	rddreg [dreg:$0x2];
	[bflag:$0x3] =	sbarrier.arrive $0xFFFF;
	s2 =	simm.s32 @!p0 $0x1C03  }
0x1b8: {  	[timem:s3], [sflag:s2] =	dma.local @!p0 [hbm:s0], s1  }
0x1b9: {  	s0 =	simm.s32 @!p0 $0x3  }
0x1ba: {  	_ =	swait.ge @!p0 [sflag:s0], s1  }
0x1bb: {  	s1 =	ssub.s32 @!p0 $0x0, s1;
	[sflag:s0] =	ssyncset.done @!p0 $0x0  }
0x1bc: {  	[sflag:s0] =	ssyncadd.s32 @!p0 s1  }
0x1bd: {  	[bflag:$0x3] =	sbarrier.arrive $0xFFFF  }
0x1be: {  	_ =	shalt  }

</sc_bundles>
